<compile_context>
chip_gen: v7x
topology: tpu7x:2x2x1
jax: 0.10.2.dev20260603
libtpu: 0.0.44.dev20260713+nightly
codegen_flags: <defaults>
</compile_context>

<pallas_src>
import jax
import jax.numpy as jnp
from jax import lax
from jax.experimental import pallas as pl
from jax.experimental.pallas import tpu as pltpu
from jax.experimental.pallas import tpu_sc as plsc

N = 10000
E = 320000
D_IN = 128
D_H = 64

NC = 2
NS = 16
NW = NC * NS
EPT = E // NW
CH = 40
NCH = EPT // CH
NPAD = 10112
RPT = NPAD // NS

ROWS_BLK = 2000


def _sc_agg_body(table, srcs, dsts, zeros, out, src_v, dst_v, rows, agg_sh,
                 gsem):
    c = lax.axis_index("c")
    s = lax.axis_index("s")
    pltpu.sync_copy(zeros, agg_sh.at[pl.ds(s * RPT, RPT)])
    pltpu.sync_copy(srcs.at[c, s], src_v)
    pltpu.sync_copy(dsts.at[c, s], dst_v)
    plsc.subcore_barrier()

    pltpu.async_copy(table.at[src_v.at[0]], rows.at[0], gsem)

    def body(j, carry):
        pltpu.make_async_copy(
            table.at[src_v.at[j]], rows.at[j % 2], gsem
        ).wait()
        nxt = j + 1

        @pl.when(nxt < NCH)
        def _issue():
            pltpu.async_copy(table.at[src_v.at[nxt]], rows.at[nxt % 2], gsem)

        pltpu.sync_copy(rows.at[j % 2], agg_sh.at[dst_v.at[j]], add=True)
        return carry

    lax.fori_loop(0, NCH, body, 0)
    plsc.subcore_barrier()
    pltpu.sync_copy(
        agg_sh.at[pl.ds(s * RPT, RPT)], out.at[c, pl.ds(s * RPT, RPT)]
    )


_sc_agg_cached = {}


def _sc_agg(table, srcs, dsts, zeros):
    d = table.shape[-1]
    if d not in _sc_agg_cached:
        _sc_agg_cached[d] = pl.kernel(
            _sc_agg_body,
            out_type=jax.ShapeDtypeStruct((NC, NPAD, d), jnp.float32),
            mesh=plsc.VectorSubcoreMesh(
                core_axis_name="c", subcore_axis_name="s"),
            scratch_types=[
                pltpu.VMEM((NCH, CH), jnp.int32),
                pltpu.VMEM((NCH, CH), jnp.int32),
                pltpu.VMEM((2, CH, d), jnp.float32),
                pltpu.VMEM_SHARED((NPAD, d), jnp.float32),
                pltpu.SemaphoreType.DMA,
            ],
            compiler_params=pltpu.CompilerParams(use_tc_tiling_on_sc=False),
        )
    return _sc_agg_cached[d](table, srcs, dsts, zeros)


def _pre_body(x_ref, r_ref):
    r_ref[...] = jnp.maximum(x_ref[...], 0.0)


def _tc_pre(x):
    grid = (N // ROWS_BLK,)
    blk = pl.BlockSpec((ROWS_BLK, D_IN), lambda i: (i, 0))
    return pl.pallas_call(
        _pre_body,
        grid=grid,
        in_specs=[blk],
        out_specs=blk,
        out_shape=jax.ShapeDtypeStruct((N, D_IN), jnp.float32),
    )(x)


def _mid_body(x_ref, a0_ref, a1_ref, w1_ref, b1_ref, w2_ref, b2_ref,
              eps_ref, h_ref):
    e = eps_ref[0, 0]
    hin = e * x_ref[...] + a0_ref[...] + a1_ref[...]
    t = jnp.maximum(
        jnp.dot(hin, w1_ref[...], preferred_element_type=jnp.float32)
        + b1_ref[...], 0.0)
    h_ref[...] = jnp.maximum(
        jnp.dot(t, w2_ref[...], preferred_element_type=jnp.float32)
        + b2_ref[...], 0.0)


def _tc_mid(x, a0, a1, w1, b1, w2, b2, eps1p):
    grid = (N // ROWS_BLK,)
    wide = pl.BlockSpec((ROWS_BLK, D_IN), lambda i: (i, 0))
    return pl.pallas_call(
        _mid_body,
        grid=grid,
        in_specs=[
            wide, wide, wide,
            pl.BlockSpec((D_IN, D_H), lambda i: (0, 0)),
            pl.BlockSpec((1, D_H), lambda i: (0, 0)),
            pl.BlockSpec((D_H, D_H), lambda i: (0, 0)),
            pl.BlockSpec((1, D_H), lambda i: (0, 0)),
            pl.BlockSpec(memory_space=pltpu.SMEM),
        ],
        out_specs=pl.BlockSpec((ROWS_BLK, D_H), lambda i: (i, 0)),
        out_shape=jax.ShapeDtypeStruct((N, D_H), jnp.float32),
    )(x, a0, a1, w1, b1, w2, b2, eps1p)


def _post_body(h_ref, a0_ref, a1_ref, w1_ref, b1_ref, w2_ref, b2_ref,
               eps_ref, o_ref):
    e = eps_ref[0, 0]
    uin = e * h_ref[...] + a0_ref[...] + a1_ref[...]
    u = jnp.maximum(
        jnp.dot(uin, w1_ref[...], preferred_element_type=jnp.float32)
        + b1_ref[...], 0.0)
    hl = jnp.dot(u, w2_ref[...], preferred_element_type=jnp.float32) \
        + b2_ref[...]
    m = jnp.max(hl, axis=-1, keepdims=True)
    ex = jnp.exp(hl - m)
    o_ref[...] = ex / jnp.sum(ex, axis=-1, keepdims=True)


def _tc_post(h, a0, a1, w1, b1, w2, b2, eps1p):
    grid = (N // ROWS_BLK,)
    row = pl.BlockSpec((ROWS_BLK, D_H), lambda i: (i, 0))
    return pl.pallas_call(
        _post_body,
        grid=grid,
        in_specs=[
            row, row, row,
            pl.BlockSpec((D_H, D_H), lambda i: (0, 0)),
            pl.BlockSpec((1, D_H), lambda i: (0, 0)),
            pl.BlockSpec((D_H, D_H), lambda i: (0, 0)),
            pl.BlockSpec((1, D_H), lambda i: (0, 0)),
            pl.BlockSpec(memory_space=pltpu.SMEM),
        ],
        out_specs=row,
        out_shape=jax.ShapeDtypeStruct((N, D_H), jnp.float32),
    )(h, a0, a1, w1, b1, w2, b2, eps1p)


def kernel(x, edge_index, W1_0, b1_0, W2_0, b2_0, eps_0,
           W1_1, b1_1, W2_1, b2_1, eps_1):
    src = edge_index[0].reshape(NC, NS, NCH, CH)
    dst = edge_index[1].reshape(NC, NS, NCH, CH)
    zeros_wide = jnp.zeros((RPT, D_IN), jnp.float32)
    zeros_h = jnp.zeros((RPT, D_H), jnp.float32)
    e0 = (1.0 + eps_0).reshape(1, 1)
    e1 = (1.0 + eps_1).reshape(1, 1)

    r0 = _tc_pre(x)
    a0 = _sc_agg(r0, src, dst, zeros_wide)
    h = _tc_mid(x, a0[0, :N], a0[1, :N], W1_0, b1_0.reshape(1, D_H),
                W2_0, b2_0.reshape(1, D_H), e0)
    a1 = _sc_agg(h, src, dst, zeros_h)
    return _tc_post(h, a1[0, :N], a1[1, :N], W1_1, b1_1.reshape(1, D_H),
                    W2_1, b2_1.reshape(1, D_H), e1)

# --- scband reference (transcript-rebuilt; emitter-appended) ---
"""Pipeline reference for scband-my-gin-36344013259383 (READ-ONLY COPY).

The authoritative reference and input builder live on the scoring server;
editing this copy changes nothing except your own understanding.
"""

import jax, jax.numpy as jnp
import numpy as np

N = 10000
E = 320000
D_IN = 128
D_H = 64
D_OUT = 64


def setup_inputs(seed: int = 0) -> dict:
    key = jax.random.key(seed)
    ks = jax.random.split(key, 8)
    s_in = 1.0 / np.sqrt(D_IN)
    s_h = 1.0 / np.sqrt(D_H)
    return {
        "x": jax.random.normal(ks[0], (N, D_IN), dtype=jnp.float32),
        "edge_index": jax.random.randint(ks[1], (2, E), 0, N, dtype=jnp.int32),
        "W1_0": jax.random.uniform(ks[2], (D_IN, D_H), jnp.float32, -s_in, s_in),
        "b1_0": jnp.zeros((D_H,), jnp.float32),
        "W2_0": jax.random.uniform(ks[3], (D_H, D_H), jnp.float32, -s_h, s_h),
        "b2_0": jnp.zeros((D_H,), jnp.float32),
        "eps_0": jnp.zeros((), jnp.float32),
        "W1_1": jax.random.uniform(ks[4], (D_H, D_OUT), jnp.float32, -s_h, s_h),
        "b1_1": jnp.zeros((D_OUT,), jnp.float32),
        "W2_1": jax.random.uniform(ks[5], (D_OUT, D_OUT), jnp.float32, -s_h, s_h),
        "b2_1": jnp.zeros((D_OUT,), jnp.float32),
        "eps_1": jnp.zeros((), jnp.float32),
    }


def gin_conv(x, edge_index, W1, b1, W2, b2, eps):
    src = edge_index[0]
    dst = edge_index[1]
    # message: relu(x_j) gathered from source nodes
    msg = jax.nn.relu(x[src])
    # aggregate: scatter-add to destination nodes
    a = jnp.zeros_like(x).at[dst].add(msg)
    h = (1.0 + eps) * x + a
    h = jax.nn.relu(h @ W1 + b1)
    return h @ W2 + b2


def reference(x, edge_index, W1_0, b1_0, W2_0, b2_0, eps_0, W1_1, b1_1, W2_1, b2_1, eps_1):
    # eval mode: dropout is identity
    h = jax.nn.relu(gin_conv(x, edge_index, W1_0, b1_0, W2_0, b2_0, eps_0))
    h = gin_conv(h, edge_index, W1_1, b1_1, W2_1, b2_1, eps_1)
    return jax.nn.softmax(h, axis=-1)

if __name__ == "__main__":
    import jax
    _d = setup_inputs()
    print(jax.jit(kernel)(*tuple(_d.values())))

</pallas_src>

<mosaic_0001>
#map = affine_map<(d0, d1) -> (0, 0)>
#map1 = affine_map<(d0, d1) -> (0, 0, 0, 0)>
#map2 = affine_map<(d0, d1) -> (0, 0, 0)>
module attributes {stable_mosaic.version = 14 : i64} {
  func.func @_sc_agg_body(%arg0: i32, %arg1: i32, %arg2: memref<10000x128xf32, #tpu.memory_space<hbm>>, %arg3: memref<2x16x250x40xi32, #tpu.memory_space<hbm>>, %arg4: memref<2x16x250x40xi32, #tpu.memory_space<hbm>>, %arg5: memref<632x128xf32, #tpu.memory_space<hbm>>, %arg6: memref<2x10112x128xf32, #tpu.memory_space<hbm>>, %arg7: memref<250x40xi32, #tpu.memory_space<vmem>>, %arg8: memref<250x40xi32, #tpu.memory_space<vmem>>, %arg9: memref<2x40x128xf32, #tpu.memory_space<vmem>>, %arg10: memref<10112x128xf32, #tpu.memory_space<vmem_shared>>, %arg11: memref<!tpu.dma_semaphore, #tpu.memory_space<semaphore_mem>>) attributes {dimension_semantics = [#tpu.dimension_semantics<core_parallel>, #tpu.dimension_semantics<subcore_parallel>], iteration_bounds = array<i64: 2, 16>, scalar_prefetch = 0 : i64, scratch_operands = 5 : i64, tpu.core_type = #tpu.core_type<sc_vector_subcore>, window_params = [{transform_indices = #map}, {transform_indices = #map1}, {transform_indices = #map1}, {transform_indices = #map}, {transform_indices = #map2}]} {
    %mul3A = arith.constant 632 : i32
    %mul3A_0 = arith.muli %arg1, %mul3A : i32
    "tpu.region"() ({
      %run_scoped3A = tpu.sem_alloc : memref<!tpu.dma_semaphore, #tpu.memory_space<semaphore_mem>>
      %dma_start3A_22 = arith.constant 0 : i32
      %dma_start3A_23 = tpu.memref_slice %arg10[%mul3A_0, %dma_start3A_22] : memref<10112x128xf32, #tpu.memory_space<vmem_shared>> -> memref<632x128xf32, #tpu.memory_space<vmem_shared>>
      tpu.enqueue_dma source(%arg5 : memref<632x128xf32, #tpu.memory_space<hbm>>) target(%dma_start3A_23 : memref<632x128xf32, #tpu.memory_space<vmem_shared>>) target_semaphore(%run_scoped3A : memref<!tpu.dma_semaphore, #tpu.memory_space<semaphore_mem>>)
      %dma_wait3A = arith.constant 0 : i32
      %dma_wait3A_24 = tpu.memref_slice %arg10[%mul3A_0, %dma_wait3A] : memref<10112x128xf32, #tpu.memory_space<vmem_shared>> -> memref<632x128xf32, #tpu.memory_space<vmem_shared>>
      tpu.wait_dma2 semaphore(%run_scoped3A : memref<!tpu.dma_semaphore, #tpu.memory_space<semaphore_mem>>) src(%arg5 : memref<632x128xf32, #tpu.memory_space<hbm>>) dst(%dma_wait3A_24 : memref<632x128xf32, #tpu.memory_space<vmem_shared>>)
      tpu.yield
    }) : () -> ()
    "tpu.region"() ({
      %run_scoped3A = tpu.sem_alloc : memref<!tpu.dma_semaphore, #tpu.memory_space<semaphore_mem>>
      %dma_start3A_22 = arith.constant 0 : i32
      %dma_start3A_23 = arith.constant 0 : i32
      %dma_start3A_24 = tpu.memref_slice %arg3[%arg0, %arg1, %dma_start3A_22, %dma_start3A_23] : memref<2x16x250x40xi32, #tpu.memory_space<hbm>> -> memref<1x1x250x40xi32, #tpu.memory_space<hbm>>
      %dma_start3A_25 = tpu.memref_squeeze %dma_start3A_24 : memref<1x1x250x40xi32, #tpu.memory_space<hbm>> -> memref<250x40xi32, #tpu.memory_space<hbm>>
      %dma_start3A_26 = arith.constant 0 : i32
      %dma_start3A_27 = arith.constant 0 : i32
      %dma_start3A_28 = tpu.memref_slice %arg3[%arg0, %arg1, %dma_start3A_26, %dma_start3A_27] : memref<2x16x250x40xi32, #tpu.memory_space<hbm>> -> memref<1x1x250x40xi32, #tpu.memory_space<hbm>>
      %dma_start3A_29 = tpu.memref_squeeze %dma_start3A_28 : memref<1x1x250x40xi32, #tpu.memory_space<hbm>> -> memref<250x40xi32, #tpu.memory_space<hbm>>
      tpu.enqueue_dma source(%dma_start3A_29 : memref<250x40xi32, #tpu.memory_space<hbm>>) target(%arg7 : memref<250x40xi32, #tpu.memory_space<vmem>>) target_semaphore(%run_scoped3A : memref<!tpu.dma_semaphore, #tpu.memory_space<semaphore_mem>>)
      %dma_wait3A = arith.constant 0 : i32
      %dma_wait3A_30 = arith.constant 0 : i32
      %dma_wait3A_31 = tpu.memref_slice %arg3[%arg0, %arg1, %dma_wait3A, %dma_wait3A_30] : memref<2x16x250x40xi32, #tpu.memory_space<hbm>> -> memref<1x1x250x40xi32, #tpu.memory_space<hbm>>
      %dma_wait3A_32 = tpu.memref_squeeze %dma_wait3A_31 : memref<1x1x250x40xi32, #tpu.memory_space<hbm>> -> memref<250x40xi32, #tpu.memory_space<hbm>>
      %dma_wait3A_33 = arith.constant 0 : i32
      %dma_wait3A_34 = arith.constant 0 : i32
      %dma_wait3A_35 = tpu.memref_slice %arg3[%arg0, %arg1, %dma_wait3A_33, %dma_wait3A_34] : memref<2x16x250x40xi32, #tpu.memory_space<hbm>> -> memref<1x1x250x40xi32, #tpu.memory_space<hbm>>
      %dma_wait3A_36 = tpu.memref_squeeze %dma_wait3A_35 : memref<1x1x250x40xi32, #tpu.memory_space<hbm>> -> memref<250x40xi32, #tpu.memory_space<hbm>>
      tpu.wait_dma2 semaphore(%run_scoped3A : memref<!tpu.dma_semaphore, #tpu.memory_space<semaphore_mem>>) src(%dma_wait3A_36 : memref<250x40xi32, #tpu.memory_space<hbm>>) dst(%arg7 : memref<250x40xi32, #tpu.memory_space<vmem>>)
      tpu.yield
    }) : () -> ()
    "tpu.region"() ({
      %run_scoped3A = tpu.sem_alloc : memref<!tpu.dma_semaphore, #tpu.memory_space<semaphore_mem>>
      %dma_start3A_22 = arith.constant 0 : i32
      %dma_start3A_23 = arith.constant 0 : i32
      %dma_start3A_24 = tpu.memref_slice %arg4[%arg0, %arg1, %dma_start3A_22, %dma_start3A_23] : memref<2x16x250x40xi32, #tpu.memory_space<hbm>> -> memref<1x1x250x40xi32, #tpu.memory_space<hbm>>
      %dma_start3A_25 = tpu.memref_squeeze %dma_start3A_24 : memref<1x1x250x40xi32, #tpu.memory_space<hbm>> -> memref<250x40xi32, #tpu.memory_space<hbm>>
      %dma_start3A_26 = arith.constant 0 : i32
      %dma_start3A_27 = arith.constant 0 : i32
      %dma_start3A_28 = tpu.memref_slice %arg4[%arg0, %arg1, %dma_start3A_26, %dma_start3A_27] : memref<2x16x250x40xi32, #tpu.memory_space<hbm>> -> memref<1x1x250x40xi32, #tpu.memory_space<hbm>>
      %dma_start3A_29 = tpu.memref_squeeze %dma_start3A_28 : memref<1x1x250x40xi32, #tpu.memory_space<hbm>> -> memref<250x40xi32, #tpu.memory_space<hbm>>
      tpu.enqueue_dma source(%dma_start3A_29 : memref<250x40xi32, #tpu.memory_space<hbm>>) target(%arg8 : memref<250x40xi32, #tpu.memory_space<vmem>>) target_semaphore(%run_scoped3A : memref<!tpu.dma_semaphore, #tpu.memory_space<semaphore_mem>>)
      %dma_wait3A = arith.constant 0 : i32
      %dma_wait3A_30 = arith.constant 0 : i32
      %dma_wait3A_31 = tpu.memref_slice %arg4[%arg0, %arg1, %dma_wait3A, %dma_wait3A_30] : memref<2x16x250x40xi32, #tpu.memory_space<hbm>> -> memref<1x1x250x40xi32, #tpu.memory_space<hbm>>
      %dma_wait3A_32 = tpu.memref_squeeze %dma_wait3A_31 : memref<1x1x250x40xi32, #tpu.memory_space<hbm>> -> memref<250x40xi32, #tpu.memory_space<hbm>>
      %dma_wait3A_33 = arith.constant 0 : i32
      %dma_wait3A_34 = arith.constant 0 : i32
      %dma_wait3A_35 = tpu.memref_slice %arg4[%arg0, %arg1, %dma_wait3A_33, %dma_wait3A_34] : memref<2x16x250x40xi32, #tpu.memory_space<hbm>> -> memref<1x1x250x40xi32, #tpu.memory_space<hbm>>
      %dma_wait3A_36 = tpu.memref_squeeze %dma_wait3A_35 : memref<1x1x250x40xi32, #tpu.memory_space<hbm>> -> memref<250x40xi32, #tpu.memory_space<hbm>>
      tpu.wait_dma2 semaphore(%run_scoped3A : memref<!tpu.dma_semaphore, #tpu.memory_space<semaphore_mem>>) src(%dma_wait3A_36 : memref<250x40xi32, #tpu.memory_space<hbm>>) dst(%arg8 : memref<250x40xi32, #tpu.memory_space<vmem>>)
      tpu.yield
    }) : () -> ()
    %barrier3A = arith.constant 0 : index
    tpu.barrier barrier_id(%barrier3A)
    %dma_start3A = arith.constant 0 : i32
    %dma_start3A_1 = arith.constant 0 : i32
    %dma_start3A_2 = arith.constant 0 : i32
    %dma_start3A_3 = arith.constant 0 : i32
    %dma_start3A_4 = tpu.memref_slice %arg9[%dma_start3A_1, %dma_start3A_2, %dma_start3A_3] : memref<2x40x128xf32, #tpu.memory_space<vmem>> -> memref<1x40x128xf32, #tpu.memory_space<vmem>>
    %dma_start3A_5 = tpu.memref_squeeze %dma_start3A_4 : memref<1x40x128xf32, #tpu.memory_space<vmem>> -> memref<40x128xf32, #tpu.memory_space<vmem>>
    %dma_start3A_6 = arith.constant 0 : i32
    %dma_start3A_7 = tpu.memref_slice %arg7[%dma_start3A, %dma_start3A_6] : memref<250x40xi32, #tpu.memory_space<vmem>> -> memref<1x40xi32, #tpu.memory_space<vmem>>
    %dma_start3A_8 = tpu.memref_squeeze %dma_start3A_7 : memref<1x40xi32, #tpu.memory_space<vmem>> -> memref<40xi32, #tpu.memory_space<vmem>>
    %dma_start3A_9 = arith.constant 0 : i32
    %dma_start3A_10 = arith.constant 0 : i32
    %dma_start3A_11 = tpu.memref_slice %arg2[%dma_start3A_9, %dma_start3A_10] : memref<10000x128xf32, #tpu.memory_space<hbm>> -> memref<10000x128xf32, #tpu.memory_space<hbm>>
    tpu.enqueue_indirect_dma source(%dma_start3A_11 : memref<10000x128xf32, #tpu.memory_space<hbm>>) target(%dma_start3A_5 : memref<40x128xf32, #tpu.memory_space<vmem>>) offsets(%dma_start3A_8 : memref<40xi32, #tpu.memory_space<vmem>>) semaphore(%arg11 : memref<!tpu.dma_semaphore, #tpu.memory_space<semaphore_mem>>)
    %scan3A = arith.constant 0 : i32
    %scan3A_12 = arith.constant 0 : i32
    %scan3A_13 = arith.constant 250 : i32
    %scan3A_14 = arith.addi %scan3A_12, %scan3A_13 : i32
    %scan3A_15 = arith.constant 1 : i32
    scf.for %scan3A_22 = %scan3A_12 to %scan3A_14 step %scan3A_15  : i32 {
      %jit3A = arith.constant 2 : i32
      %eq3A = arith.constant 0 : i32
      %eq3A_23 = arith.cmpi eq, %jit3A, %eq3A : i32
      %jit3A_24 = arith.constant 1 : i32
      %select_n3A = arith.select %eq3A_23, %jit3A_24, %jit3A : i32
      %rem3A = arith.remsi %scan3A_22, %select_n3A : i32
      %ne3A = arith.constant 0 : i32
      %ne3A_25 = arith.cmpi ne, %rem3A, %ne3A : i32
      %lt3A = arith.constant 0 : i32
      %lt3A_26 = arith.cmpi slt, %rem3A, %lt3A : i32
      %lt3A_27 = arith.constant 0 : i32
      %lt3A_28 = arith.cmpi slt, %select_n3A, %lt3A_27 : i32
      %ne3A_29 = arith.xori %lt3A_26, %lt3A_28 : i1
      %and3A = arith.andi %ne3A_29, %ne3A_25 : i1
      %add3A = arith.addi %rem3A, %select_n3A : i32
      %select_n3A_30 = arith.select %and3A, %add3A, %rem3A : i32
      %dma_wait3A = arith.constant 0 : i32
      %dma_wait3A_31 = arith.constant 0 : i32
      %dma_wait3A_32 = tpu.memref_slice %arg9[%select_n3A_30, %dma_wait3A, %dma_wait3A_31] : memref<2x40x128xf32, #tpu.memory_space<vmem>> -> memref<1x40x128xf32, #tpu.memory_space<vmem>>
      %dma_wait3A_33 = tpu.memref_squeeze %dma_wait3A_32 : memref<1x40x128xf32, #tpu.memory_space<vmem>> -> memref<40x128xf32, #tpu.memory_space<vmem>>
      %dma_wait3A_34 = arith.constant 0 : i32
      %dma_wait3A_35 = tpu.memref_slice %arg7[%scan3A_22, %dma_wait3A_34] : memref<250x40xi32, #tpu.memory_space<vmem>> -> memref<1x40xi32, #tpu.memory_space<vmem>>
      %dma_wait3A_36 = tpu.memref_squeeze %dma_wait3A_35 : memref<1x40xi32, #tpu.memory_space<vmem>> -> memref<40xi32, #tpu.memory_space<vmem>>
      %dma_wait3A_37 = arith.constant 0 : i32
      %dma_wait3A_38 = arith.constant 0 : i32
      %dma_wait3A_39 = tpu.memref_slice %arg2[%dma_wait3A_37, %dma_wait3A_38] : memref<10000x128xf32, #tpu.memory_space<hbm>> -> memref<10000x128xf32, #tpu.memory_space<hbm>>
      tpu.wait_indirect_dma semaphore(%arg11 : memref<!tpu.dma_semaphore, #tpu.memory_space<semaphore_mem>>) src(%dma_wait3A_39 : memref<10000x128xf32, #tpu.memory_space<hbm>>) dst(%dma_wait3A_33 : memref<40x128xf32, #tpu.memory_space<vmem>>)
      %add3A_40 = arith.constant 1 : i32
      %add3A_41 = arith.addi %scan3A_22, %add3A_40 : i32
      %lt3A_42 = arith.constant 250 : i32
      %lt3A_43 = arith.cmpi slt, %add3A_41, %lt3A_42 : i32
      %convert_element_type3A = arith.extui %lt3A_43 : i1 to i32
      %cond3A = arith.constant 0 : i32
      %cond3A_44 = arith.cmpi ne, %convert_element_type3A, %cond3A : i32
      scf.if %cond3A_44 {
        %jit3A_61 = arith.constant 2 : i32
        %eq3A_62 = arith.constant 0 : i32
        %eq3A_63 = arith.cmpi eq, %jit3A_61, %eq3A_62 : i32
        %jit3A_64 = arith.constant 1 : i32
        %select_n3A_65 = arith.select %eq3A_63, %jit3A_64, %jit3A_61 : i32
        %rem3A_66 = arith.remsi %add3A_41, %select_n3A_65 : i32
        %ne3A_67 = arith.constant 0 : i32
        %ne3A_68 = arith.cmpi ne, %rem3A_66, %ne3A_67 : i32
        %lt3A_69 = arith.constant 0 : i32
        %lt3A_70 = arith.cmpi slt, %rem3A_66, %lt3A_69 : i32
        %lt3A_71 = arith.constant 0 : i32
        %lt3A_72 = arith.cmpi slt, %select_n3A_65, %lt3A_71 : i32
        %ne3A_73 = arith.xori %lt3A_70, %lt3A_72 : i1
        %and3A_74 = arith.andi %ne3A_73, %ne3A_68 : i1
        %add3A_75 = arith.addi %rem3A_66, %select_n3A_65 : i32
        %select_n3A_76 = arith.select %and3A_74, %add3A_75, %rem3A_66 : i32
        %dma_start3A_77 = arith.constant 0 : i32
        %dma_start3A_78 = arith.constant 0 : i32
        %dma_start3A_79 = tpu.memref_slice %arg9[%select_n3A_76, %dma_start3A_77, %dma_start3A_78] : memref<2x40x128xf32, #tpu.memory_space<vmem>> -> memref<1x40x128xf32, #tpu.memory_space<vmem>>
        %dma_start3A_80 = tpu.memref_squeeze %dma_start3A_79 : memref<1x40x128xf32, #tpu.memory_space<vmem>> -> memref<40x128xf32, #tpu.memory_space<vmem>>
        %dma_start3A_81 = arith.constant 0 : i32
        %dma_start3A_82 = tpu.memref_slice %arg7[%add3A_41, %dma_start3A_81] : memref<250x40xi32, #tpu.memory_space<vmem>> -> memref<1x40xi32, #tpu.memory_space<vmem>>
        %dma_start3A_83 = tpu.memref_squeeze %dma_start3A_82 : memref<1x40xi32, #tpu.memory_space<vmem>> -> memref<40xi32, #tpu.memory_space<vmem>>
        %dma_start3A_84 = arith.constant 0 : i32
        %dma_start3A_85 = arith.constant 0 : i32
        %dma_start3A_86 = tpu.memref_slice %arg2[%dma_start3A_84, %dma_start3A_85] : memref<10000x128xf32, #tpu.memory_space<hbm>> -> memref<10000x128xf32, #tpu.memory_space<hbm>>
        tpu.enqueue_indirect_dma source(%dma_start3A_86 : memref<10000x128xf32, #tpu.memory_space<hbm>>) target(%dma_start3A_80 : memref<40x128xf32, #tpu.memory_space<vmem>>) offsets(%dma_start3A_83 : memref<40xi32, #tpu.memory_space<vmem>>) semaphore(%arg11 : memref<!tpu.dma_semaphore, #tpu.memory_space<semaphore_mem>>)
      } else {
      }
      %jit3A_45 = arith.constant 2 : i32
      %eq3A_46 = arith.constant 0 : i32
      %eq3A_47 = arith.cmpi eq, %jit3A_45, %eq3A_46 : i32
      %jit3A_48 = arith.constant 1 : i32
      %select_n3A_49 = arith.select %eq3A_47, %jit3A_48, %jit3A_45 : i32
      %rem3A_50 = arith.remsi %scan3A_22, %select_n3A_49 : i32
      %ne3A_51 = arith.constant 0 : i32
      %ne3A_52 = arith.cmpi ne, %rem3A_50, %ne3A_51 : i32
      %lt3A_53 = arith.constant 0 : i32
      %lt3A_54 = arith.cmpi slt, %rem3A_50, %lt3A_53 : i32
      %lt3A_55 = arith.constant 0 : i32
      %lt3A_56 = arith.cmpi slt, %select_n3A_49, %lt3A_55 : i32
      %ne3A_57 = arith.xori %lt3A_54, %lt3A_56 : i1
      %and3A_58 = arith.andi %ne3A_57, %ne3A_52 : i1
      %add3A_59 = arith.addi %rem3A_50, %select_n3A_49 : i32
      %select_n3A_60 = arith.select %and3A_58, %add3A_59, %rem3A_50 : i32
      "tpu.region"() ({
        %run_scoped3A = tpu.sem_alloc : memref<!tpu.dma_semaphore, #tpu.memory_space<semaphore_mem>>
        %dma_start3A_61 = arith.constant 0 : i32
        %dma_start3A_62 = arith.constant 0 : i32
        %dma_start3A_63 = tpu.memref_slice %arg9[%select_n3A_60, %dma_start3A_61, %dma_start3A_62] : memref<2x40x128xf32, #tpu.memory_space<vmem>> -> memref<1x40x128xf32, #tpu.memory_space<vmem>>
        %dma_start3A_64 = tpu.memref_squeeze %dma_start3A_63 : memref<1x40x128xf32, #tpu.memory_space<vmem>> -> memref<40x128xf32, #tpu.memory_space<vmem>>
        %dma_start3A_65 = arith.constant 0 : i32
        %dma_start3A_66 = tpu.memref_slice %arg8[%scan3A_22, %dma_start3A_65] : memref<250x40xi32, #tpu.memory_space<vmem>> -> memref<1x40xi32, #tpu.memory_space<vmem>>
        %dma_start3A_67 = tpu.memref_squeeze %dma_start3A_66 : memref<1x40xi32, #tpu.memory_space<vmem>> -> memref<40xi32, #tpu.memory_space<vmem>>
        %dma_start3A_68 = arith.constant 0 : i32
        %dma_start3A_69 = arith.constant 0 : i32
        %dma_start3A_70 = tpu.memref_slice %arg10[%dma_start3A_68, %dma_start3A_69] : memref<10112x128xf32, #tpu.memory_space<vmem_shared>> -> memref<10112x128xf32, #tpu.memory_space<vmem_shared>>
        tpu.enqueue_indirect_dma source(%dma_start3A_64 : memref<40x128xf32, #tpu.memory_space<vmem>>) target(%dma_start3A_70 : memref<10112x128xf32, #tpu.memory_space<vmem_shared>>) offsets(%dma_start3A_67 : memref<40xi32, #tpu.memory_space<vmem>>) semaphore(%run_scoped3A : memref<!tpu.dma_semaphore, #tpu.memory_space<semaphore_mem>>) {add = true}
        %dma_wait3A_71 = arith.constant 0 : i32
        %dma_wait3A_72 = arith.constant 0 : i32
        %dma_wait3A_73 = tpu.memref_slice %arg9[%select_n3A_60, %dma_wait3A_71, %dma_wait3A_72] : memref<2x40x128xf32, #tpu.memory_space<vmem>> -> memref<1x40x128xf32, #tpu.memory_space<vmem>>
        %dma_wait3A_74 = tpu.memref_squeeze %dma_wait3A_73 : memref<1x40x128xf32, #tpu.memory_space<vmem>> -> memref<40x128xf32, #tpu.memory_space<vmem>>
        %dma_wait3A_75 = arith.constant 0 : i32
        %dma_wait3A_76 = tpu.memref_slice %arg8[%scan3A_22, %dma_wait3A_75] : memref<250x40xi32, #tpu.memory_space<vmem>> -> memref<1x40xi32, #tpu.memory_space<vmem>>
        %dma_wait3A_77 = tpu.memref_squeeze %dma_wait3A_76 : memref<1x40xi32, #tpu.memory_space<vmem>> -> memref<40xi32, #tpu.memory_space<vmem>>
        %dma_wait3A_78 = arith.constant 0 : i32
        %dma_wait3A_79 = arith.constant 0 : i32
        %dma_wait3A_80 = tpu.memref_slice %arg10[%dma_wait3A_78, %dma_wait3A_79] : memref<10112x128xf32, #tpu.memory_space<vmem_shared>> -> memref<10112x128xf32, #tpu.memory_space<vmem_shared>>
        tpu.wait_indirect_dma semaphore(%run_scoped3A : memref<!tpu.dma_semaphore, #tpu.memory_space<semaphore_mem>>) src(%dma_wait3A_74 : memref<40x128xf32, #tpu.memory_space<vmem>>) dst(%dma_wait3A_80 : memref<10112x128xf32, #tpu.memory_space<vmem_shared>>)
        tpu.yield
      }) : () -> ()
    }
    %scan3A_16 = arith.constant 250 : i32
    %barrier3A_17 = arith.constant 0 : index
    tpu.barrier barrier_id(%barrier3A_17)
    %mul3A_18 = arith.constant 632 : i32
    %mul3A_19 = arith.muli %arg1, %mul3A_18 : i32
    %mul3A_20 = arith.constant 632 : i32
    %mul3A_21 = arith.muli %arg1, %mul3A_20 : i32
    "tpu.region"() ({
      %run_scoped3A = tpu.sem_alloc : memref<!tpu.dma_semaphore, #tpu.memory_space<semaphore_mem>>
      %dma_start3A_22 = arith.constant 0 : i32
      %dma_start3A_23 = tpu.memref_slice %arg6[%arg0, %mul3A_21, %dma_start3A_22] : memref<2x10112x128xf32, #tpu.memory_space<hbm>> -> memref<1x632x128xf32, #tpu.memory_space<hbm>>
      %dma_start3A_24 = tpu.memref_squeeze %dma_start3A_23 : memref<1x632x128xf32, #tpu.memory_space<hbm>> -> memref<632x128xf32, #tpu.memory_space<hbm>>
      %dma_start3A_25 = arith.constant 0 : i32
      %dma_start3A_26 = tpu.memref_slice %arg10[%mul3A_19, %dma_start3A_25] : memref<10112x128xf32, #tpu.memory_space<vmem_shared>> -> memref<632x128xf32, #tpu.memory_space<vmem_shared>>
      tpu.enqueue_dma source(%dma_start3A_26 : memref<632x128xf32, #tpu.memory_space<vmem_shared>>) target(%dma_start3A_24 : memref<632x128xf32, #tpu.memory_space<hbm>>) target_semaphore(%run_scoped3A : memref<!tpu.dma_semaphore, #tpu.memory_space<semaphore_mem>>)
      %dma_wait3A = arith.constant 0 : i32
      %dma_wait3A_27 = tpu.memref_slice %arg6[%arg0, %mul3A_21, %dma_wait3A] : memref<2x10112x128xf32, #tpu.memory_space<hbm>> -> memref<1x632x128xf32, #tpu.memory_space<hbm>>
      %dma_wait3A_28 = tpu.memref_squeeze %dma_wait3A_27 : memref<1x632x128xf32, #tpu.memory_space<hbm>> -> memref<632x128xf32, #tpu.memory_space<hbm>>
      %dma_wait3A_29 = arith.constant 0 : i32
      %dma_wait3A_30 = tpu.memref_slice %arg10[%mul3A_19, %dma_wait3A_29] : memref<10112x128xf32, #tpu.memory_space<vmem_shared>> -> memref<632x128xf32, #tpu.memory_space<vmem_shared>>
      tpu.wait_dma2 semaphore(%run_scoped3A : memref<!tpu.dma_semaphore, #tpu.memory_space<semaphore_mem>>) src(%dma_wait3A_30 : memref<632x128xf32, #tpu.memory_space<vmem_shared>>) dst(%dma_wait3A_28 : memref<632x128xf32, #tpu.memory_space<hbm>>)
      tpu.yield
    }) : () -> ()
    return
  }
}

#map = affine_map<(d0, d1) -> (0, 0)>
#map1 = affine_map<(d0, d1) -> (0, 0, 0, 0)>
#map2 = affine_map<(d0, d1) -> (0, 0, 0)>
module attributes {stable_mosaic.version = 14 : i64} {
  func.func @_sc_agg_body(%arg0: i32, %arg1: i32, %arg2: memref<10000x64xf32, #tpu.memory_space<hbm>>, %arg3: memref<2x16x250x40xi32, #tpu.memory_space<hbm>>, %arg4: memref<2x16x250x40xi32, #tpu.memory_space<hbm>>, %arg5: memref<632x64xf32, #tpu.memory_space<hbm>>, %arg6: memref<2x10112x64xf32, #tpu.memory_space<hbm>>, %arg7: memref<250x40xi32, #tpu.memory_space<vmem>>, %arg8: memref<250x40xi32, #tpu.memory_space<vmem>>, %arg9: memref<2x40x64xf32, #tpu.memory_space<vmem>>, %arg10: memref<10112x64xf32, #tpu.memory_space<vmem_shared>>, %arg11: memref<!tpu.dma_semaphore, #tpu.memory_space<semaphore_mem>>) attributes {dimension_semantics = [#tpu.dimension_semantics<core_parallel>, #tpu.dimension_semantics<subcore_parallel>], iteration_bounds = array<i64: 2, 16>, scalar_prefetch = 0 : i64, scratch_operands = 5 : i64, tpu.core_type = #tpu.core_type<sc_vector_subcore>, window_params = [{transform_indices = #map}, {transform_indices = #map1}, {transform_indices = #map1}, {transform_indices = #map}, {transform_indices = #map2}]} {
    %mul3A = arith.constant 632 : i32
    %mul3A_0 = arith.muli %arg1, %mul3A : i32
    "tpu.region"() ({
      %run_scoped3A = tpu.sem_alloc : memref<!tpu.dma_semaphore, #tpu.memory_space<semaphore_mem>>
      %dma_start3A_22 = arith.constant 0 : i32
      %dma_start3A_23 = tpu.memref_slice %arg10[%mul3A_0, %dma_start3A_22] : memref<10112x64xf32, #tpu.memory_space<vmem_shared>> -> memref<632x64xf32, #tpu.memory_space<vmem_shared>>
      tpu.enqueue_dma source(%arg5 : memref<632x64xf32, #tpu.memory_space<hbm>>) target(%dma_start3A_23 : memref<632x64xf32, #tpu.memory_space<vmem_shared>>) target_semaphore(%run_scoped3A : memref<!tpu.dma_semaphore, #tpu.memory_space<semaphore_mem>>)
      %dma_wait3A = arith.constant 0 : i32
      %dma_wait3A_24 = tpu.memref_slice %arg10[%mul3A_0, %dma_wait3A] : memref<10112x64xf32, #tpu.memory_space<vmem_shared>> -> memref<632x64xf32, #tpu.memory_space<vmem_shared>>
      tpu.wait_dma2 semaphore(%run_scoped3A : memref<!tpu.dma_semaphore, #tpu.memory_space<semaphore_mem>>) src(%arg5 : memref<632x64xf32, #tpu.memory_space<hbm>>) dst(%dma_wait3A_24 : memref<632x64xf32, #tpu.memory_space<vmem_shared>>)
      tpu.yield
    }) : () -> ()
    "tpu.region"() ({
      %run_scoped3A = tpu.sem_alloc : memref<!tpu.dma_semaphore, #tpu.memory_space<semaphore_mem>>
      %dma_start3A_22 = arith.constant 0 : i32
      %dma_start3A_23 = arith.constant 0 : i32
      %dma_start3A_24 = tpu.memref_slice %arg3[%arg0, %arg1, %dma_start3A_22, %dma_start3A_23] : memref<2x16x250x40xi32, #tpu.memory_space<hbm>> -> memref<1x1x250x40xi32, #tpu.memory_space<hbm>>
      %dma_start3A_25 = tpu.memref_squeeze %dma_start3A_24 : memref<1x1x250x40xi32, #tpu.memory_space<hbm>> -> memref<250x40xi32, #tpu.memory_space<hbm>>
      %dma_start3A_26 = arith.constant 0 : i32
      %dma_start3A_27 = arith.constant 0 : i32
      %dma_start3A_28 = tpu.memref_slice %arg3[%arg0, %arg1, %dma_start3A_26, %dma_start3A_27] : memref<2x16x250x40xi32, #tpu.memory_space<hbm>> -> memref<1x1x250x40xi32, #tpu.memory_space<hbm>>
      %dma_start3A_29 = tpu.memref_squeeze %dma_start3A_28 : memref<1x1x250x40xi32, #tpu.memory_space<hbm>> -> memref<250x40xi32, #tpu.memory_space<hbm>>
      tpu.enqueue_dma source(%dma_start3A_29 : memref<250x40xi32, #tpu.memory_space<hbm>>) target(%arg7 : memref<250x40xi32, #tpu.memory_space<vmem>>) target_semaphore(%run_scoped3A : memref<!tpu.dma_semaphore, #tpu.memory_space<semaphore_mem>>)
      %dma_wait3A = arith.constant 0 : i32
      %dma_wait3A_30 = arith.constant 0 : i32
      %dma_wait3A_31 = tpu.memref_slice %arg3[%arg0, %arg1, %dma_wait3A, %dma_wait3A_30] : memref<2x16x250x40xi32, #tpu.memory_space<hbm>> -> memref<1x1x250x40xi32, #tpu.memory_space<hbm>>
      %dma_wait3A_32 = tpu.memref_squeeze %dma_wait3A_31 : memref<1x1x250x40xi32, #tpu.memory_space<hbm>> -> memref<250x40xi32, #tpu.memory_space<hbm>>
      %dma_wait3A_33 = arith.constant 0 : i32
      %dma_wait3A_34 = arith.constant 0 : i32
      %dma_wait3A_35 = tpu.memref_slice %arg3[%arg0, %arg1, %dma_wait3A_33, %dma_wait3A_34] : memref<2x16x250x40xi32, #tpu.memory_space<hbm>> -> memref<1x1x250x40xi32, #tpu.memory_space<hbm>>
      %dma_wait3A_36 = tpu.memref_squeeze %dma_wait3A_35 : memref<1x1x250x40xi32, #tpu.memory_space<hbm>> -> memref<250x40xi32, #tpu.memory_space<hbm>>
      tpu.wait_dma2 semaphore(%run_scoped3A : memref<!tpu.dma_semaphore, #tpu.memory_space<semaphore_mem>>) src(%dma_wait3A_36 : memref<250x40xi32, #tpu.memory_space<hbm>>) dst(%arg7 : memref<250x40xi32, #tpu.memory_space<vmem>>)
      tpu.yield
    }) : () -> ()
    "tpu.region"() ({
      %run_scoped3A = tpu.sem_alloc : memref<!tpu.dma_semaphore, #tpu.memory_space<semaphore_mem>>
      %dma_start3A_22 = arith.constant 0 : i32
      %dma_start3A_23 = arith.constant 0 : i32
      %dma_start3A_24 = tpu.memref_slice %arg4[%arg0, %arg1, %dma_start3A_22, %dma_start3A_23] : memref<2x16x250x40xi32, #tpu.memory_space<hbm>> -> memref<1x1x250x40xi32, #tpu.memory_space<hbm>>
      %dma_start3A_25 = tpu.memref_squeeze %dma_start3A_24 : memref<1x1x250x40xi32, #tpu.memory_space<hbm>> -> memref<250x40xi32, #tpu.memory_space<hbm>>
      %dma_start3A_26 = arith.constant 0 : i32
      %dma_start3A_27 = arith.constant 0 : i32
      %dma_start3A_28 = tpu.memref_slice %arg4[%arg0, %arg1, %dma_start3A_26, %dma_start3A_27] : memref<2x16x250x40xi32, #tpu.memory_space<hbm>> -> memref<1x1x250x40xi32, #tpu.memory_space<hbm>>
      %dma_start3A_29 = tpu.memref_squeeze %dma_start3A_28 : memref<1x1x250x40xi32, #tpu.memory_space<hbm>> -> memref<250x40xi32, #tpu.memory_space<hbm>>
      tpu.enqueue_dma source(%dma_start3A_29 : memref<250x40xi32, #tpu.memory_space<hbm>>) target(%arg8 : memref<250x40xi32, #tpu.memory_space<vmem>>) target_semaphore(%run_scoped3A : memref<!tpu.dma_semaphore, #tpu.memory_space<semaphore_mem>>)
      %dma_wait3A = arith.constant 0 : i32
      %dma_wait3A_30 = arith.constant 0 : i32
      %dma_wait3A_31 = tpu.memref_slice %arg4[%arg0, %arg1, %dma_wait3A, %dma_wait3A_30] : memref<2x16x250x40xi32, #tpu.memory_space<hbm>> -> memref<1x1x250x40xi32, #tpu.memory_space<hbm>>
      %dma_wait3A_32 = tpu.memref_squeeze %dma_wait3A_31 : memref<1x1x250x40xi32, #tpu.memory_space<hbm>> -> memref<250x40xi32, #tpu.memory_space<hbm>>
      %dma_wait3A_33 = arith.constant 0 : i32
      %dma_wait3A_34 = arith.constant 0 : i32
      %dma_wait3A_35 = tpu.memref_slice %arg4[%arg0, %arg1, %dma_wait3A_33, %dma_wait3A_34] : memref<2x16x250x40xi32, #tpu.memory_space<hbm>> -> memref<1x1x250x40xi32, #tpu.memory_space<hbm>>
      %dma_wait3A_36 = tpu.memref_squeeze %dma_wait3A_35 : memref<1x1x250x40xi32, #tpu.memory_space<hbm>> -> memref<250x40xi32, #tpu.memory_space<hbm>>
      tpu.wait_dma2 semaphore(%run_scoped3A : memref<!tpu.dma_semaphore, #tpu.memory_space<semaphore_mem>>) src(%dma_wait3A_36 : memref<250x40xi32, #tpu.memory_space<hbm>>) dst(%arg8 : memref<250x40xi32, #tpu.memory_space<vmem>>)
      tpu.yield
    }) : () -> ()
    %barrier3A = arith.constant 0 : index
    tpu.barrier barrier_id(%barrier3A)
    %dma_start3A = arith.constant 0 : i32
    %dma_start3A_1 = arith.constant 0 : i32
    %dma_start3A_2 = arith.constant 0 : i32
    %dma_start3A_3 = arith.constant 0 : i32
    %dma_start3A_4 = tpu.memref_slice %arg9[%dma_start3A_1, %dma_start3A_2, %dma_start3A_3] : memref<2x40x64xf32, #tpu.memory_space<vmem>> -> memref<1x40x64xf32, #tpu.memory_space<vmem>>
    %dma_start3A_5 = tpu.memref_squeeze %dma_start3A_4 : memref<1x40x64xf32, #tpu.memory_space<vmem>> -> memref<40x64xf32, #tpu.memory_space<vmem>>
    %dma_start3A_6 = arith.constant 0 : i32
    %dma_start3A_7 = tpu.memref_slice %arg7[%dma_start3A, %dma_start3A_6] : memref<250x40xi32, #tpu.memory_space<vmem>> -> memref<1x40xi32, #tpu.memory_space<vmem>>
    %dma_start3A_8 = tpu.memref_squeeze %dma_start3A_7 : memref<1x40xi32, #tpu.memory_space<vmem>> -> memref<40xi32, #tpu.memory_space<vmem>>
    %dma_start3A_9 = arith.constant 0 : i32
    %dma_start3A_10 = arith.constant 0 : i32
    %dma_start3A_11 = tpu.memref_slice %arg2[%dma_start3A_9, %dma_start3A_10] : memref<10000x64xf32, #tpu.memory_space<hbm>> -> memref<10000x64xf32, #tpu.memory_space<hbm>>
    tpu.enqueue_indirect_dma source(%dma_start3A_11 : memref<10000x64xf32, #tpu.memory_space<hbm>>) target(%dma_start3A_5 : memref<40x64xf32, #tpu.memory_space<vmem>>) offsets(%dma_start3A_8 : memref<40xi32, #tpu.memory_space<vmem>>) semaphore(%arg11 : memref<!tpu.dma_semaphore, #tpu.memory_space<semaphore_mem>>)
    %scan3A = arith.constant 0 : i32
    %scan3A_12 = arith.constant 0 : i32
    %scan3A_13 = arith.constant 250 : i32
    %scan3A_14 = arith.addi %scan3A_12, %scan3A_13 : i32
    %scan3A_15 = arith.constant 1 : i32
    scf.for %scan3A_22 = %scan3A_12 to %scan3A_14 step %scan3A_15  : i32 {
      %jit3A = arith.constant 2 : i32
      %eq3A = arith.constant 0 : i32
      %eq3A_23 = arith.cmpi eq, %jit3A, %eq3A : i32
      %jit3A_24 = arith.constant 1 : i32
      %select_n3A = arith.select %eq3A_23, %jit3A_24, %jit3A : i32
      %rem3A = arith.remsi %scan3A_22, %select_n3A : i32
      %ne3A = arith.constant 0 : i32
      %ne3A_25 = arith.cmpi ne, %rem3A, %ne3A : i32
      %lt3A = arith.constant 0 : i32
      %lt3A_26 = arith.cmpi slt, %rem3A, %lt3A : i32
      %lt3A_27 = arith.constant 0 : i32
      %lt3A_28 = arith.cmpi slt, %select_n3A, %lt3A_27 : i32
      %ne3A_29 = arith.xori %lt3A_26, %lt3A_28 : i1
      %and3A = arith.andi %ne3A_29, %ne3A_25 : i1
      %add3A = arith.addi %rem3A, %select_n3A : i32
      %select_n3A_30 = arith.select %and3A, %add3A, %rem3A : i32
      %dma_wait3A = arith.constant 0 : i32
      %dma_wait3A_31 = arith.constant 0 : i32
      %dma_wait3A_32 = tpu.memref_slice %arg9[%select_n3A_30, %dma_wait3A, %dma_wait3A_31] : memref<2x40x64xf32, #tpu.memory_space<vmem>> -> memref<1x40x64xf32, #tpu.memory_space<vmem>>
      %dma_wait3A_33 = tpu.memref_squeeze %dma_wait3A_32 : memref<1x40x64xf32, #tpu.memory_space<vmem>> -> memref<40x64xf32, #tpu.memory_space<vmem>>
      %dma_wait3A_34 = arith.constant 0 : i32
      %dma_wait3A_35 = tpu.memref_slice %arg7[%scan3A_22, %dma_wait3A_34] : memref<250x40xi32, #tpu.memory_space<vmem>> -> memref<1x40xi32, #tpu.memory_space<vmem>>
      %dma_wait3A_36 = tpu.memref_squeeze %dma_wait3A_35 : memref<1x40xi32, #tpu.memory_space<vmem>> -> memref<40xi32, #tpu.memory_space<vmem>>
      %dma_wait3A_37 = arith.constant 0 : i32
      %dma_wait3A_38 = arith.constant 0 : i32
      %dma_wait3A_39 = tpu.memref_slice %arg2[%dma_wait3A_37, %dma_wait3A_38] : memref<10000x64xf32, #tpu.memory_space<hbm>> -> memref<10000x64xf32, #tpu.memory_space<hbm>>
      tpu.wait_indirect_dma semaphore(%arg11 : memref<!tpu.dma_semaphore, #tpu.memory_space<semaphore_mem>>) src(%dma_wait3A_39 : memref<10000x64xf32, #tpu.memory_space<hbm>>) dst(%dma_wait3A_33 : memref<40x64xf32, #tpu.memory_space<vmem>>)
      %add3A_40 = arith.constant 1 : i32
      %add3A_41 = arith.addi %scan3A_22, %add3A_40 : i32
      %lt3A_42 = arith.constant 250 : i32
      %lt3A_43 = arith.cmpi slt, %add3A_41, %lt3A_42 : i32
      %convert_element_type3A = arith.extui %lt3A_43 : i1 to i32
      %cond3A = arith.constant 0 : i32
      %cond3A_44 = arith.cmpi ne, %convert_element_type3A, %cond3A : i32
      scf.if %cond3A_44 {
        %jit3A_61 = arith.constant 2 : i32
        %eq3A_62 = arith.constant 0 : i32
        %eq3A_63 = arith.cmpi eq, %jit3A_61, %eq3A_62 : i32
        %jit3A_64 = arith.constant 1 : i32
        %select_n3A_65 = arith.select %eq3A_63, %jit3A_64, %jit3A_61 : i32
        %rem3A_66 = arith.remsi %add3A_41, %select_n3A_65 : i32
        %ne3A_67 = arith.constant 0 : i32
        %ne3A_68 = arith.cmpi ne, %rem3A_66, %ne3A_67 : i32
        %lt3A_69 = arith.constant 0 : i32
        %lt3A_70 = arith.cmpi slt, %rem3A_66, %lt3A_69 : i32
        %lt3A_71 = arith.constant 0 : i32
        %lt3A_72 = arith.cmpi slt, %select_n3A_65, %lt3A_71 : i32
        %ne3A_73 = arith.xori %lt3A_70, %lt3A_72 : i1
        %and3A_74 = arith.andi %ne3A_73, %ne3A_68 : i1
        %add3A_75 = arith.addi %rem3A_66, %select_n3A_65 : i32
        %select_n3A_76 = arith.select %and3A_74, %add3A_75, %rem3A_66 : i32
        %dma_start3A_77 = arith.constant 0 : i32
        %dma_start3A_78 = arith.constant 0 : i32
        %dma_start3A_79 = tpu.memref_slice %arg9[%select_n3A_76, %dma_start3A_77, %dma_start3A_78] : memref<2x40x64xf32, #tpu.memory_space<vmem>> -> memref<1x40x64xf32, #tpu.memory_space<vmem>>
        %dma_start3A_80 = tpu.memref_squeeze %dma_start3A_79 : memref<1x40x64xf32, #tpu.memory_space<vmem>> -> memref<40x64xf32, #tpu.memory_space<vmem>>
        %dma_start3A_81 = arith.constant 0 : i32
        %dma_start3A_82 = tpu.memref_slice %arg7[%add3A_41, %dma_start3A_81] : memref<250x40xi32, #tpu.memory_space<vmem>> -> memref<1x40xi32, #tpu.memory_space<vmem>>
        %dma_start3A_83 = tpu.memref_squeeze %dma_start3A_82 : memref<1x40xi32, #tpu.memory_space<vmem>> -> memref<40xi32, #tpu.memory_space<vmem>>
        %dma_start3A_84 = arith.constant 0 : i32
        %dma_start3A_85 = arith.constant 0 : i32
        %dma_start3A_86 = tpu.memref_slice %arg2[%dma_start3A_84, %dma_start3A_85] : memref<10000x64xf32, #tpu.memory_space<hbm>> -> memref<10000x64xf32, #tpu.memory_space<hbm>>
        tpu.enqueue_indirect_dma source(%dma_start3A_86 : memref<10000x64xf32, #tpu.memory_space<hbm>>) target(%dma_start3A_80 : memref<40x64xf32, #tpu.memory_space<vmem>>) offsets(%dma_start3A_83 : memref<40xi32, #tpu.memory_space<vmem>>) semaphore(%arg11 : memref<!tpu.dma_semaphore, #tpu.memory_space<semaphore_mem>>)
      } else {
      }
      %jit3A_45 = arith.constant 2 : i32
      %eq3A_46 = arith.constant 0 : i32
      %eq3A_47 = arith.cmpi eq, %jit3A_45, %eq3A_46 : i32
      %jit3A_48 = arith.constant 1 : i32
      %select_n3A_49 = arith.select %eq3A_47, %jit3A_48, %jit3A_45 : i32
      %rem3A_50 = arith.remsi %scan3A_22, %select_n3A_49 : i32
      %ne3A_51 = arith.constant 0 : i32
      %ne3A_52 = arith.cmpi ne, %rem3A_50, %ne3A_51 : i32
      %lt3A_53 = arith.constant 0 : i32
      %lt3A_54 = arith.cmpi slt, %rem3A_50, %lt3A_53 : i32
      %lt3A_55 = arith.constant 0 : i32
      %lt3A_56 = arith.cmpi slt, %select_n3A_49, %lt3A_55 : i32
      %ne3A_57 = arith.xori %lt3A_54, %lt3A_56 : i1
      %and3A_58 = arith.andi %ne3A_57, %ne3A_52 : i1
      %add3A_59 = arith.addi %rem3A_50, %select_n3A_49 : i32
      %select_n3A_60 = arith.select %and3A_58, %add3A_59, %rem3A_50 : i32
      "tpu.region"() ({
        %run_scoped3A = tpu.sem_alloc : memref<!tpu.dma_semaphore, #tpu.memory_space<semaphore_mem>>
        %dma_start3A_61 = arith.constant 0 : i32
        %dma_start3A_62 = arith.constant 0 : i32
        %dma_start3A_63 = tpu.memref_slice %arg9[%select_n3A_60, %dma_start3A_61, %dma_start3A_62] : memref<2x40x64xf32, #tpu.memory_space<vmem>> -> memref<1x40x64xf32, #tpu.memory_space<vmem>>
        %dma_start3A_64 = tpu.memref_squeeze %dma_start3A_63 : memref<1x40x64xf32, #tpu.memory_space<vmem>> -> memref<40x64xf32, #tpu.memory_space<vmem>>
        %dma_start3A_65 = arith.constant 0 : i32
        %dma_start3A_66 = tpu.memref_slice %arg8[%scan3A_22, %dma_start3A_65] : memref<250x40xi32, #tpu.memory_space<vmem>> -> memref<1x40xi32, #tpu.memory_space<vmem>>
        %dma_start3A_67 = tpu.memref_squeeze %dma_start3A_66 : memref<1x40xi32, #tpu.memory_space<vmem>> -> memref<40xi32, #tpu.memory_space<vmem>>
        %dma_start3A_68 = arith.constant 0 : i32
        %dma_start3A_69 = arith.constant 0 : i32
        %dma_start3A_70 = tpu.memref_slice %arg10[%dma_start3A_68, %dma_start3A_69] : memref<10112x64xf32, #tpu.memory_space<vmem_shared>> -> memref<10112x64xf32, #tpu.memory_space<vmem_shared>>
        tpu.enqueue_indirect_dma source(%dma_start3A_64 : memref<40x64xf32, #tpu.memory_space<vmem>>) target(%dma_start3A_70 : memref<10112x64xf32, #tpu.memory_space<vmem_shared>>) offsets(%dma_start3A_67 : memref<40xi32, #tpu.memory_space<vmem>>) semaphore(%run_scoped3A : memref<!tpu.dma_semaphore, #tpu.memory_space<semaphore_mem>>) {add = true}
        %dma_wait3A_71 = arith.constant 0 : i32
        %dma_wait3A_72 = arith.constant 0 : i32
        %dma_wait3A_73 = tpu.memref_slice %arg9[%select_n3A_60, %dma_wait3A_71, %dma_wait3A_72] : memref<2x40x64xf32, #tpu.memory_space<vmem>> -> memref<1x40x64xf32, #tpu.memory_space<vmem>>
        %dma_wait3A_74 = tpu.memref_squeeze %dma_wait3A_73 : memref<1x40x64xf32, #tpu.memory_space<vmem>> -> memref<40x64xf32, #tpu.memory_space<vmem>>
        %dma_wait3A_75 = arith.constant 0 : i32
        %dma_wait3A_76 = tpu.memref_slice %arg8[%scan3A_22, %dma_wait3A_75] : memref<250x40xi32, #tpu.memory_space<vmem>> -> memref<1x40xi32, #tpu.memory_space<vmem>>
        %dma_wait3A_77 = tpu.memref_squeeze %dma_wait3A_76 : memref<1x40xi32, #tpu.memory_space<vmem>> -> memref<40xi32, #tpu.memory_space<vmem>>
        %dma_wait3A_78 = arith.constant 0 : i32
        %dma_wait3A_79 = arith.constant 0 : i32
        %dma_wait3A_80 = tpu.memref_slice %arg10[%dma_wait3A_78, %dma_wait3A_79] : memref<10112x64xf32, #tpu.memory_space<vmem_shared>> -> memref<10112x64xf32, #tpu.memory_space<vmem_shared>>
        tpu.wait_indirect_dma semaphore(%run_scoped3A : memref<!tpu.dma_semaphore, #tpu.memory_space<semaphore_mem>>) src(%dma_wait3A_74 : memref<40x64xf32, #tpu.memory_space<vmem>>) dst(%dma_wait3A_80 : memref<10112x64xf32, #tpu.memory_space<vmem_shared>>)
        tpu.yield
      }) : () -> ()
    }
    %scan3A_16 = arith.constant 250 : i32
    %barrier3A_17 = arith.constant 0 : index
    tpu.barrier barrier_id(%barrier3A_17)
    %mul3A_18 = arith.constant 632 : i32
    %mul3A_19 = arith.muli %arg1, %mul3A_18 : i32
    %mul3A_20 = arith.constant 632 : i32
    %mul3A_21 = arith.muli %arg1, %mul3A_20 : i32
    "tpu.region"() ({
      %run_scoped3A = tpu.sem_alloc : memref<!tpu.dma_semaphore, #tpu.memory_space<semaphore_mem>>
      %dma_start3A_22 = arith.constant 0 : i32
      %dma_start3A_23 = tpu.memref_slice %arg6[%arg0, %mul3A_21, %dma_start3A_22] : memref<2x10112x64xf32, #tpu.memory_space<hbm>> -> memref<1x632x64xf32, #tpu.memory_space<hbm>>
      %dma_start3A_24 = tpu.memref_squeeze %dma_start3A_23 : memref<1x632x64xf32, #tpu.memory_space<hbm>> -> memref<632x64xf32, #tpu.memory_space<hbm>>
      %dma_start3A_25 = arith.constant 0 : i32
      %dma_start3A_26 = tpu.memref_slice %arg10[%mul3A_19, %dma_start3A_25] : memref<10112x64xf32, #tpu.memory_space<vmem_shared>> -> memref<632x64xf32, #tpu.memory_space<vmem_shared>>
      tpu.enqueue_dma source(%dma_start3A_26 : memref<632x64xf32, #tpu.memory_space<vmem_shared>>) target(%dma_start3A_24 : memref<632x64xf32, #tpu.memory_space<hbm>>) target_semaphore(%run_scoped3A : memref<!tpu.dma_semaphore, #tpu.memory_space<semaphore_mem>>)
      %dma_wait3A = arith.constant 0 : i32
      %dma_wait3A_27 = tpu.memref_slice %arg6[%arg0, %mul3A_21, %dma_wait3A] : memref<2x10112x64xf32, #tpu.memory_space<hbm>> -> memref<1x632x64xf32, #tpu.memory_space<hbm>>
      %dma_wait3A_28 = tpu.memref_squeeze %dma_wait3A_27 : memref<1x632x64xf32, #tpu.memory_space<hbm>> -> memref<632x64xf32, #tpu.memory_space<hbm>>
      %dma_wait3A_29 = arith.constant 0 : i32
      %dma_wait3A_30 = tpu.memref_slice %arg10[%mul3A_19, %dma_wait3A_29] : memref<10112x64xf32, #tpu.memory_space<vmem_shared>> -> memref<632x64xf32, #tpu.memory_space<vmem_shared>>
      tpu.wait_dma2 semaphore(%run_scoped3A : memref<!tpu.dma_semaphore, #tpu.memory_space<semaphore_mem>>) src(%dma_wait3A_30 : memref<632x64xf32, #tpu.memory_space<vmem_shared>>) dst(%dma_wait3A_28 : memref<632x64xf32, #tpu.memory_space<hbm>>)
      tpu.yield
    }) : () -> ()
    return
  }
}

module attributes {stable_mosaic.version = 14 : i64} {
  func.func @_pre_body(%arg0: i32, %arg1: memref<2000x128xf32, #tpu.memory_space<vmem>>, %arg2: memref<2000x128xf32, #tpu.memory_space<vmem>>) attributes {dimension_semantics = [#tpu.dimension_semantics<arbitrary>], iteration_bounds = array<i64: 5>, scalar_prefetch = 0 : i64, scratch_operands = 0 : i64, tpu.core_type = #tpu.core_type<tc>, window_params = [{transform_indices = @transform_0, window_bounds = array<i64: 2000, 128>}, {transform_indices = @transform_1, window_bounds = array<i64: 2000, 128>}]} {
    %get3A = arith.constant 0 : index
    %get3A_0 = arith.constant 0 : index
    %get3A_1 = vector.load %arg1[%get3A, %get3A_0] : memref<2000x128xf32, #tpu.memory_space<vmem>>, vector<2000x128xf32>
    %max3A = arith.constant 0.000000e+00 : f32
    %max3A_2 = vector.broadcast %max3A : f32 to vector<2000x128xf32>
    %max3A_3 = arith.maximumf %get3A_1, %max3A_2 : vector<2000x128xf32>
    %swap3A = arith.constant 0 : index
    %swap3A_4 = arith.constant 0 : index
    %swap3A_5 = vector.load %arg2[%swap3A, %swap3A_4] : memref<2000x128xf32, #tpu.memory_space<vmem>>, vector<2000x128xf32>
    tpu.vector_store %arg2[%swap3A, %swap3A_4], %max3A_3 {strides = array<i32>} : memref<2000x128xf32, #tpu.memory_space<vmem>>, vector<2000x128xf32>,
    return
  }
  func.func @transform_0(%arg0: i32) -> (i32, i32) {
    %c0_i32 = arith.constant 0 : i32
    %c0_i32_0 = arith.constant 0 : i32
    return %arg0, %c0_i32 : i32, i32
  }
  func.func @transform_1(%arg0: i32) -> (i32, i32) {
    %c0_i32 = arith.constant 0 : i32
    %c0_i32_0 = arith.constant 0 : i32
    return %arg0, %c0_i32 : i32, i32
  }
}

module attributes {stable_mosaic.version = 14 : i64} {
  func.func @_mid_body(%arg0: i32, %arg1: memref<2000x128xf32, #tpu.memory_space<vmem>>, %arg2: memref<2000x128xf32, #tpu.memory_space<vmem>>, %arg3: memref<2000x128xf32, #tpu.memory_space<vmem>>, %arg4: memref<128x64xf32, #tpu.memory_space<vmem>>, %arg5: memref<1x64xf32, #tpu.memory_space<vmem>>, %arg6: memref<64x64xf32, #tpu.memory_space<vmem>>, %arg7: memref<1x64xf32, #tpu.memory_space<vmem>>, %arg8: memref<1x1xf32, #tpu.memory_space<smem>>, %arg9: memref<2000x64xf32, #tpu.memory_space<vmem>>) attributes {dimension_semantics = [#tpu.dimension_semantics<arbitrary>], iteration_bounds = array<i64: 5>, scalar_prefetch = 0 : i64, scratch_operands = 0 : i64, tpu.core_type = #tpu.core_type<tc>, window_params = [{transform_indices = @transform_0, window_bounds = array<i64: 2000, 128>}, {transform_indices = @transform_1, window_bounds = array<i64: 2000, 128>}, {transform_indices = @transform_2, window_bounds = array<i64: 2000, 128>}, {pipeline_mode = #tpu.pipeline_mode<synchronous>, transform_indices = @transform_3, window_bounds = array<i64: 128, 64>}, {pipeline_mode = #tpu.pipeline_mode<synchronous>, transform_indices = @transform_4, window_bounds = array<i64: 1, 64>}, {pipeline_mode = #tpu.pipeline_mode<synchronous>, transform_indices = @transform_5, window_bounds = array<i64: 64, 64>}, {pipeline_mode = #tpu.pipeline_mode<synchronous>, transform_indices = @transform_6, window_bounds = array<i64: 1, 64>}, {transform_indices = @transform_7, window_bounds = array<i64: 1, 1>}, {transform_indices = @transform_8, window_bounds = array<i64: 2000, 64>}]} {
    %get3A = arith.constant 0 : index
    %get3A_0 = arith.constant 0 : index
    %get3A_1 = memref.load %arg8[%get3A, %get3A_0] : memref<1x1xf32, #tpu.memory_space<smem>>
    %get3A_2 = arith.constant 0 : index
    %get3A_3 = arith.constant 0 : index
    %get3A_4 = vector.load %arg1[%get3A_2, %get3A_3] : memref<2000x128xf32, #tpu.memory_space<vmem>>, vector<2000x128xf32>
    %mul3A = vector.broadcast %get3A_1 : f32 to vector<2000x128xf32>
    %mul3A_5 = arith.mulf %mul3A, %get3A_4 : vector<2000x128xf32>
    %get3A_6 = arith.constant 0 : index
    %get3A_7 = arith.constant 0 : index
    %get3A_8 = vector.load %arg2[%get3A_6, %get3A_7] : memref<2000x128xf32, #tpu.memory_space<vmem>>, vector<2000x128xf32>
    %add3A = arith.addf %mul3A_5, %get3A_8 : vector<2000x128xf32>
    %get3A_9 = arith.constant 0 : index
    %get3A_10 = arith.constant 0 : index
    %get3A_11 = vector.load %arg3[%get3A_9, %get3A_10] : memref<2000x128xf32, #tpu.memory_space<vmem>>, vector<2000x128xf32>
    %add3A_12 = arith.addf %add3A, %get3A_11 : vector<2000x128xf32>
    %get3A_13 = arith.constant 0 : index
    %get3A_14 = arith.constant 0 : index
    %get3A_15 = vector.load %arg4[%get3A_13, %get3A_14] : memref<128x64xf32, #tpu.memory_space<vmem>>, vector<128x64xf32>
    %dot_general3A = arith.constant dense<0.000000e+00> : vector<2000x64xf32>
    %dot_general3A_16 = tpu.matmul %add3A_12, %get3A_15, %dot_general3A {dimension_numbers = #tpu.dot_dimension_numbers<[1], [0], [0], [1], [0, 0, 1, 1], [], []>, transpose_lhs_hint = false} : vector<2000x128xf32>, vector<128x64xf32>, vector<2000x64xf32> -> vector<2000x64xf32>
    %get3A_17 = arith.constant 0 : index
    %get3A_18 = arith.constant 0 : index
    %get3A_19 = vector.load %arg5[%get3A_17, %get3A_18] : memref<1x64xf32, #tpu.memory_space<vmem>>, vector<1x64xf32>
    %add3A_20 = vector.broadcast %get3A_19 : vector<1x64xf32> to vector<2000x64xf32>
    %add3A_21 = arith.addf %dot_general3A_16, %add3A_20 : vector<2000x64xf32>
    %max3A = arith.constant 0.000000e+00 : f32
    %max3A_22 = vector.broadcast %max3A : f32 to vector<2000x64xf32>
    %max3A_23 = arith.maximumf %add3A_21, %max3A_22 : vector<2000x64xf32>
    %get3A_24 = arith.constant 0 : index
    %get3A_25 = arith.constant 0 : index
    %get3A_26 = vector.load %arg6[%get3A_24, %get3A_25] : memref<64x64xf32, #tpu.memory_space<vmem>>, vector<64x64xf32>
    %dot_general3A_27 = arith.constant dense<0.000000e+00> : vector<2000x64xf32>
    %dot_general3A_28 = tpu.matmul %max3A_23, %get3A_26, %dot_general3A_27 {dimension_numbers = #tpu.dot_dimension_numbers<[1], [0], [0], [1], [0, 0, 1, 1], [], []>, transpose_lhs_hint = false} : vector<2000x64xf32>, vector<64x64xf32>, vector<2000x64xf32> -> vector<2000x64xf32>
    %get3A_29 = arith.constant 0 : index
    %get3A_30 = arith.constant 0 : index
    %get3A_31 = vector.load %arg7[%get3A_29, %get3A_30] : memref<1x64xf32, #tpu.memory_space<vmem>>, vector<1x64xf32>
    %add3A_32 = vector.broadcast %get3A_31 : vector<1x64xf32> to vector<2000x64xf32>
    %add3A_33 = arith.addf %dot_general3A_28, %add3A_32 : vector<2000x64xf32>
    %max3A_34 = arith.constant 0.000000e+00 : f32
    %max3A_35 = vector.broadcast %max3A_34 : f32 to vector<2000x64xf32>
    %max3A_36 = arith.maximumf %add3A_33, %max3A_35 : vector<2000x64xf32>
    %swap3A = arith.constant 0 : index
    %swap3A_37 = arith.constant 0 : index
    %swap3A_38 = vector.load %arg9[%swap3A, %swap3A_37] : memref<2000x64xf32, #tpu.memory_space<vmem>>, vector<2000x64xf32>
    tpu.vector_store %arg9[%swap3A, %swap3A_37], %max3A_36 {strides = array<i32>} : memref<2000x64xf32, #tpu.memory_space<vmem>>, vector<2000x64xf32>,
    return
  }
  func.func @transform_0(%arg0: i32) -> (i32, i32) {
    %c0_i32 = arith.constant 0 : i32
    %c0_i32_0 = arith.constant 0 : i32
    return %arg0, %c0_i32 : i32, i32
  }
  func.func @transform_1(%arg0: i32) -> (i32, i32) {
    %c0_i32 = arith.constant 0 : i32
    %c0_i32_0 = arith.constant 0 : i32
    return %arg0, %c0_i32 : i32, i32
  }
  func.func @transform_2(%arg0: i32) -> (i32, i32) {
    %c0_i32 = arith.constant 0 : i32
    %c0_i32_0 = arith.constant 0 : i32
    return %arg0, %c0_i32 : i32, i32
  }
  func.func @transform_3(%arg0: i32) -> (i32, i32) {
    %c0_i32 = arith.constant 0 : i32
    %c0_i32_0 = arith.constant 0 : i32
    %c0_i32_1 = arith.constant 0 : i32
    return %c0_i32, %c0_i32_0 : i32, i32
  }
  func.func @transform_4(%arg0: i32) -> (i32, i32) {
    %c0_i32 = arith.constant 0 : i32
    %c0_i32_0 = arith.constant 0 : i32
    %c0_i32_1 = arith.constant 0 : i32
    return %c0_i32, %c0_i32_0 : i32, i32
  }
  func.func @transform_5(%arg0: i32) -> (i32, i32) {
    %c0_i32 = arith.constant 0 : i32
    %c0_i32_0 = arith.constant 0 : i32
    %c0_i32_1 = arith.constant 0 : i32
    return %c0_i32, %c0_i32_0 : i32, i32
  }
  func.func @transform_6(%arg0: i32) -> (i32, i32) {
    %c0_i32 = arith.constant 0 : i32
    %c0_i32_0 = arith.constant 0 : i32
    %c0_i32_1 = arith.constant 0 : i32
    return %c0_i32, %c0_i32_0 : i32, i32
  }
  func.func @transform_7(%arg0: i32) -> (i32, i32) {
    %c0_i32 = arith.constant 0 : i32
    %c0_i32_0 = arith.constant 0 : i32
    %c0_i32_1 = arith.constant 0 : i32
    return %c0_i32, %c0_i32_0 : i32, i32
  }
  func.func @transform_8(%arg0: i32) -> (i32, i32) {
    %c0_i32 = arith.constant 0 : i32
    %c0_i32_0 = arith.constant 0 : i32
    return %arg0, %c0_i32 : i32, i32
  }
}

module attributes {stable_mosaic.version = 14 : i64} {
  func.func @_post_body(%arg0: i32, %arg1: memref<2000x64xf32, #tpu.memory_space<vmem>>, %arg2: memref<2000x64xf32, #tpu.memory_space<vmem>>, %arg3: memref<2000x64xf32, #tpu.memory_space<vmem>>, %arg4: memref<64x64xf32, #tpu.memory_space<vmem>>, %arg5: memref<1x64xf32, #tpu.memory_space<vmem>>, %arg6: memref<64x64xf32, #tpu.memory_space<vmem>>, %arg7: memref<1x64xf32, #tpu.memory_space<vmem>>, %arg8: memref<1x1xf32, #tpu.memory_space<smem>>, %arg9: memref<2000x64xf32, #tpu.memory_space<vmem>>) attributes {dimension_semantics = [#tpu.dimension_semantics<arbitrary>], iteration_bounds = array<i64: 5>, scalar_prefetch = 0 : i64, scratch_operands = 0 : i64, tpu.core_type = #tpu.core_type<tc>, window_params = [{transform_indices = @transform_0, window_bounds = array<i64: 2000, 64>}, {transform_indices = @transform_1, window_bounds = array<i64: 2000, 64>}, {transform_indices = @transform_2, window_bounds = array<i64: 2000, 64>}, {pipeline_mode = #tpu.pipeline_mode<synchronous>, transform_indices = @transform_3, window_bounds = array<i64: 64, 64>}, {pipeline_mode = #tpu.pipeline_mode<synchronous>, transform_indices = @transform_4, window_bounds = array<i64: 1, 64>}, {pipeline_mode = #tpu.pipeline_mode<synchronous>, transform_indices = @transform_5, window_bounds = array<i64: 64, 64>}, {pipeline_mode = #tpu.pipeline_mode<synchronous>, transform_indices = @transform_6, window_bounds = array<i64: 1, 64>}, {transform_indices = @transform_7, window_bounds = array<i64: 1, 1>}, {transform_indices = @transform_8, window_bounds = array<i64: 2000, 64>}]} {
    %get3A = arith.constant 0 : index
    %get3A_0 = arith.constant 0 : index
    %get3A_1 = memref.load %arg8[%get3A, %get3A_0] : memref<1x1xf32, #tpu.memory_space<smem>>
    %get3A_2 = arith.constant 0 : index
    %get3A_3 = arith.constant 0 : index
    %get3A_4 = vector.load %arg1[%get3A_2, %get3A_3] : memref<2000x64xf32, #tpu.memory_space<vmem>>, vector<2000x64xf32>
    %mul3A = vector.broadcast %get3A_1 : f32 to vector<2000x64xf32>
    %mul3A_5 = arith.mulf %mul3A, %get3A_4 : vector<2000x64xf32>
    %get3A_6 = arith.constant 0 : index
    %get3A_7 = arith.constant 0 : index
    %get3A_8 = vector.load %arg2[%get3A_6, %get3A_7] : memref<2000x64xf32, #tpu.memory_space<vmem>>, vector<2000x64xf32>
    %add3A = arith.addf %mul3A_5, %get3A_8 : vector<2000x64xf32>
    %get3A_9 = arith.constant 0 : index
    %get3A_10 = arith.constant 0 : index
    %get3A_11 = vector.load %arg3[%get3A_9, %get3A_10] : memref<2000x64xf32, #tpu.memory_space<vmem>>, vector<2000x64xf32>
    %add3A_12 = arith.addf %add3A, %get3A_11 : vector<2000x64xf32>
    %get3A_13 = arith.constant 0 : index
    %get3A_14 = arith.constant 0 : index
    %get3A_15 = vector.load %arg4[%get3A_13, %get3A_14] : memref<64x64xf32, #tpu.memory_space<vmem>>, vector<64x64xf32>
    %dot_general3A = arith.constant dense<0.000000e+00> : vector<2000x64xf32>
    %dot_general3A_16 = tpu.matmul %add3A_12, %get3A_15, %dot_general3A {dimension_numbers = #tpu.dot_dimension_numbers<[1], [0], [0], [1], [0, 0, 1, 1], [], []>, transpose_lhs_hint = false} : vector<2000x64xf32>, vector<64x64xf32>, vector<2000x64xf32> -> vector<2000x64xf32>
    %get3A_17 = arith.constant 0 : index
    %get3A_18 = arith.constant 0 : index
    %get3A_19 = vector.load %arg5[%get3A_17, %get3A_18] : memref<1x64xf32, #tpu.memory_space<vmem>>, vector<1x64xf32>
    %add3A_20 = vector.broadcast %get3A_19 : vector<1x64xf32> to vector<2000x64xf32>
    %add3A_21 = arith.addf %dot_general3A_16, %add3A_20 : vector<2000x64xf32>
    %max3A = arith.constant 0.000000e+00 : f32
    %max3A_22 = vector.broadcast %max3A : f32 to vector<2000x64xf32>
    %max3A_23 = arith.maximumf %add3A_21, %max3A_22 : vector<2000x64xf32>
    %get3A_24 = arith.constant 0 : index
    %get3A_25 = arith.constant 0 : index
    %get3A_26 = vector.load %arg6[%get3A_24, %get3A_25] : memref<64x64xf32, #tpu.memory_space<vmem>>, vector<64x64xf32>
    %dot_general3A_27 = arith.constant dense<0.000000e+00> : vector<2000x64xf32>
    %dot_general3A_28 = tpu.matmul %max3A_23, %get3A_26, %dot_general3A_27 {dimension_numbers = #tpu.dot_dimension_numbers<[1], [0], [0], [1], [0, 0, 1, 1], [], []>, transpose_lhs_hint = false} : vector<2000x64xf32>, vector<64x64xf32>, vector<2000x64xf32> -> vector<2000x64xf32>
    %get3A_29 = arith.constant 0 : index
    %get3A_30 = arith.constant 0 : index
    %get3A_31 = vector.load %arg7[%get3A_29, %get3A_30] : memref<1x64xf32, #tpu.memory_space<vmem>>, vector<1x64xf32>
    %add3A_32 = vector.broadcast %get3A_31 : vector<1x64xf32> to vector<2000x64xf32>
    %add3A_33 = arith.addf %dot_general3A_28, %add3A_32 : vector<2000x64xf32>
    %reduce_max3A = arith.constant dense<0xFF800000> : vector<2000xf32>
    %reduce_max3A_34 = vector.multi_reduction <maximumf>, %add3A_33, %reduce_max3A [1] : vector<2000x64xf32> to vector<2000xf32>
    %broadcast_in_dim3A = vector.shape_cast %reduce_max3A_34 : vector<2000xf32> to vector<2000x1xf32>
    %sub3A = vector.broadcast %broadcast_in_dim3A : vector<2000x1xf32> to vector<2000x64xf32>
    %sub3A_35 = arith.subf %add3A_33, %sub3A : vector<2000x64xf32>
    %exp3A = math.exp %sub3A_35 : vector<2000x64xf32>
    %reduce_sum3A = arith.constant dense<0.000000e+00> : vector<2000xf32>
    %reduce_sum3A_36 = vector.multi_reduction <add>, %exp3A, %reduce_sum3A [1] : vector<2000x64xf32> to vector<2000xf32>
    %broadcast_in_dim3A_37 = vector.shape_cast %reduce_sum3A_36 : vector<2000xf32> to vector<2000x1xf32>
    %div3A = vector.broadcast %broadcast_in_dim3A_37 : vector<2000x1xf32> to vector<2000x64xf32>
    %div3A_38 = arith.divf %exp3A, %div3A : vector<2000x64xf32>
    %swap3A = arith.constant 0 : index
    %swap3A_39 = arith.constant 0 : index
    %swap3A_40 = vector.load %arg9[%swap3A, %swap3A_39] : memref<2000x64xf32, #tpu.memory_space<vmem>>, vector<2000x64xf32>
    tpu.vector_store %arg9[%swap3A, %swap3A_39], %div3A_38 {strides = array<i32>} : memref<2000x64xf32, #tpu.memory_space<vmem>>, vector<2000x64xf32>,
    return
  }
  func.func @transform_0(%arg0: i32) -> (i32, i32) {
    %c0_i32 = arith.constant 0 : i32
    %c0_i32_0 = arith.constant 0 : i32
    return %arg0, %c0_i32 : i32, i32
  }
  func.func @transform_1(%arg0: i32) -> (i32, i32) {
    %c0_i32 = arith.constant 0 : i32
    %c0_i32_0 = arith.constant 0 : i32
    return %arg0, %c0_i32 : i32, i32
  }
  func.func @transform_2(%arg0: i32) -> (i32, i32) {
    %c0_i32 = arith.constant 0 : i32
    %c0_i32_0 = arith.constant 0 : i32
    return %arg0, %c0_i32 : i32, i32
  }
  func.func @transform_3(%arg0: i32) -> (i32, i32) {
    %c0_i32 = arith.constant 0 : i32
    %c0_i32_0 = arith.constant 0 : i32
    %c0_i32_1 = arith.constant 0 : i32
    return %c0_i32, %c0_i32_0 : i32, i32
  }
  func.func @transform_4(%arg0: i32) -> (i32, i32) {
    %c0_i32 = arith.constant 0 : i32
    %c0_i32_0 = arith.constant 0 : i32
    %c0_i32_1 = arith.constant 0 : i32
    return %c0_i32, %c0_i32_0 : i32, i32
  }
  func.func @transform_5(%arg0: i32) -> (i32, i32) {
    %c0_i32 = arith.constant 0 : i32
    %c0_i32_0 = arith.constant 0 : i32
    %c0_i32_1 = arith.constant 0 : i32
    return %c0_i32, %c0_i32_0 : i32, i32
  }
  func.func @transform_6(%arg0: i32) -> (i32, i32) {
    %c0_i32 = arith.constant 0 : i32
    %c0_i32_0 = arith.constant 0 : i32
    %c0_i32_1 = arith.constant 0 : i32
    return %c0_i32, %c0_i32_0 : i32, i32
  }
  func.func @transform_7(%arg0: i32) -> (i32, i32) {
    %c0_i32 = arith.constant 0 : i32
    %c0_i32_0 = arith.constant 0 : i32
    %c0_i32_1 = arith.constant 0 : i32
    return %c0_i32, %c0_i32_0 : i32, i32
  }
  func.func @transform_8(%arg0: i32) -> (i32, i32) {
    %c0_i32 = arith.constant 0 : i32
    %c0_i32_0 = arith.constant 0 : i32
    return %arg0, %c0_i32 : i32, i32
  }
}

</mosaic_0001>

<sc_bundles>
// kernel: kernel.10.cloned.1.call-start
scs
__scs_entry_jumppad:
0x0: {  	(pc) =	sbr.rel $0x88, $3  }
0x1: {  	(tag) =	ssettag $0x0;
	lr =	simm.s32 $0x1  }
0x2: {  	[smem:$0x3F95] =	sst lr;
	_ =	strace $0xD0000000  }
0x3: {  	_ = 	snop  }
0x4: {  	_ = 	snop  }
0x5: {  	_ = 	snop  }
0x6: {  	_ = 	snop  }
0x7: {  	_ = 	snop  }
__scs_overlays_trampoline_lowered:
0x8: {  	[smem:$0x3FA4] =	sst s0  }
0x9: {  	[smem:$0x3FA5] =	sst s1  }
0xa: {  	[smem:$0x3FA6] =	sst s2  }
0xb: {  	[smem:$0x3FA7] =	sst s3  }
0xc: {  	[smem:$0x3FA8] =	sst s4  }
0xd: {  	[smem:$0x3FA9] =	sst s5  }
0xe: {  	[smem:$0x3FAA] =	sst s6  }
0xf: {  	[smem:$0x3FAB] =	sst s7  }
0x10: {  	[smem:$0x3FAC] =	sst s8  }
0x11: {  	[smem:$0x3FAD] =	sst s9;
	s0 =	simm.s32 @!p0 $0x0  }
0x12: {  	s1 =	sld [smem:$0x3F93];
	s0 =	simm.s32 @p0 $0x1  }
0x13: {  	[smem:$0x3FAE] =	sst s0;
	s0 =	simm.s32 @!p1 $0x0  }
0x14: {  	s2 =	sld [smem:$0x3F92];
	s0 =	simm.s32 @p1 $0x1  }
0x15: {  	[smem:$0x3FAF] =	sst s0;
	s0 =	simm.s32 @!p2 $0x0  }
0x16: {  	s3 =	sld [smem:$0x3FDB];
	s0 =	simm.s32 @p2 $0x1  }
0x17: {  	s4 =	simm.s32 $0x1BF5;
	[smem:$0x3FB1] =	sst s0  }
0x18: {  	s0 =	sld [smem:$0x3F94];
	_ =	swait.ge [sflag:s4], $0x0  }
0x19: {  	s7 =	sld [smem:$0x3F95]  }
0x1a: {  	s8 =	sadd.s32 $0xFFFFE003, lr  }
0x1b: {  	s9 =	sadd.s32 $0xFFFFFEF7, lr;
	s5 =	simm.s32 $0xFFFFFFFF;
	p2 =	slt.u32 s8, $0xFFFFF086  }
0x1c: {  	p1 =	slt.u32 s9, $0xF7A;
	s5 =	simm.s32 @!p2 $0x0  }
0x1d: {  	s5 =	simm.s32 @p1 $0x1;
	p0 =	seq.s32 s7, s2  }
0x1e: {  	s7 =	smul.u32 @!p0 $0xF7A, s2;
	p2 =	seq.s32 @!p0 s5, $0x0  }
0x1f: {  	s9 =	smul.u32 $0xF7A, s1;
	s8 =	simm.s32 @!p0 $0x1BF5;
	p2 =	por !p2, p0  }
0x20: {  	[sflag:s8] =	ssyncset.s32 @!p0 $0xFFFFF086;
	s6 =	sadd.s32 @!p0 s3, s7;
	s7 =	simm.s32 @!p0 $0x108  }
0x21: {  	s3 =	sadd.s32 s3, s9;
	s6 =	sadd.s32 @!p0 $0x88, s6;
	s7 =	simm.s32 @p2 $0x1082  }
0x22: {  	[simem:s7], [sflag:s8] =	dma.local @!p0 [hbm:s6], $0xF7A  }
0x23: {  	s9 =	sor.u32 $0xD0000000, s2;
	s6 =	simm.s32 $0x108;
	_ =	swait.ge @!p0 [sflag:s8], $0x0  }
0x24: {  	s3 =	sadd.s32 $0x88, s3;
	s6 =	simm.s32 @!p1 $0x1082;
	[sflag:s4] =	ssyncset.s32 $0xFFFFF086  }
0x25: {  	[simem:s6], [sflag:s4] =	dma.local [hbm:s3], $0xF7A  }
0x26: {  	[smem:$0x3F95] =	sst s1;
	(tag) =	ssettag s2;
	_ =	strace s9  }
0x27: {  	s1 =	sld [smem:$0x3FA5]  }
0x28: {  	s2 =	sld [smem:$0x3FA6]  }
0x29: {  	s4 =	sld [smem:$0x3FA8]  }
0x2a: {  	p0 =	seq.s32 s5, $0x0;
	s5 =	sld [smem:$0x3FA9]  }
0x2b: {  	s6 =	sld [smem:$0x3FAA]  }
0x2c: {  	s7 =	sld [smem:$0x3FAB]  }
0x2d: {  	s3 =	simm.s32 $0x108;
	s8 =	sld [smem:$0x3FAC]  }
0x2e: {  	s3 =	simm.s32 @!p0 $0x1082;
	s9 =	sld [smem:$0x3FAD]  }
0x2f: {  	lr =	sadd.s32 s0, s3;
	s0 =	sld [smem:$0x3FA4]  }
0x30: {  	s3 =	sld [smem:$0x3FA7]  }
0x31: {  	[smem:$0x3FB0] =	sst s10  }
0x32: {  	s10 =	sld [smem:$0x3FAE];
	_ =	sdelay $0x3  }
0x33: {  	p0 =	seq.s32 s10, $0x1;
	s10 =	sld [smem:$0x3FB0];
	_ =	sdelay $0x3  }
0x34: {  	[smem:$0x3FB0] =	sst s10  }
0x35: {  	s10 =	sld [smem:$0x3FAF];
	_ =	sdelay $0x3  }
0x36: {  	p1 =	seq.s32 s10, $0x1;
	s10 =	sld [smem:$0x3FB0];
	_ =	sdelay $0x3  }
0x37: {  	[smem:$0x3FB0] =	sst s10  }
0x38: {  	s10 =	sld [smem:$0x3FB1]  }
0x39: {  	_ = 	snop;
	(pc) =	sbr.ind lr, $3  }
0x3a: {  	_ = 	snop  }
0x3b: {  	_ = 	snop  }
0x3c: {  	p2 =	seq.s32 s10, $0x1;
	s10 =	sld [smem:$0x3FB0]  }
0x3d: {  	_ =	shalt  }
0x3e: {  	_ =	shalt  }
0x3f: {  	_ =	shalt  }
0x40: {  	_ =	shalt  }
0x41: {  	_ =	shalt  }
0x42: {  	_ =	shalt  }
0x43: {  	_ =	shalt  }
0x44: {  	_ =	shalt  }
0x45: {  	_ =	shalt  }
0x46: {  	_ =	shalt  }
0x47: {  	_ =	shalt  }
0x48: {  	_ =	shalt  }
0x49: {  	_ =	shalt  }
0x4a: {  	_ =	shalt  }
0x4b: {  	_ =	shalt  }
0x4c: {  	_ =	shalt  }
0x4d: {  	_ =	shalt  }
0x4e: {  	_ =	shalt  }
0x4f: {  	_ =	shalt  }
0x50: {  	_ =	shalt  }
0x51: {  	_ =	shalt  }
0x52: {  	_ =	shalt  }
0x53: {  	_ =	shalt  }
0x54: {  	_ =	shalt  }
0x55: {  	_ =	shalt  }
0x56: {  	_ =	shalt  }
0x57: {  	_ =	shalt  }
0x58: {  	_ =	shalt  }
0x59: {  	_ =	shalt  }
0x5a: {  	_ =	shalt  }
0x5b: {  	_ =	shalt  }
0x5c: {  	_ =	shalt  }
0x5d: {  	_ =	shalt  }
0x5e: {  	_ =	shalt  }
0x5f: {  	_ =	shalt  }
0x60: {  	_ =	shalt  }
0x61: {  	_ =	shalt  }
0x62: {  	_ =	shalt  }
0x63: {  	_ =	shalt  }
0x64: {  	_ =	shalt  }
0x65: {  	_ =	shalt  }
0x66: {  	_ =	shalt  }
0x67: {  	_ =	shalt  }
0x68: {  	_ =	shalt  }
0x69: {  	_ =	shalt  }
0x6a: {  	_ =	shalt  }
0x6b: {  	_ =	shalt  }
0x6c: {  	_ =	shalt  }
0x6d: {  	_ =	shalt  }
0x6e: {  	_ =	shalt  }
0x6f: {  	_ =	shalt  }
0x70: {  	_ =	shalt  }
0x71: {  	_ =	shalt  }
0x72: {  	_ =	shalt  }
0x73: {  	_ =	shalt  }
0x74: {  	_ =	shalt  }
0x75: {  	_ =	shalt  }
0x76: {  	_ =	shalt  }
0x77: {  	_ =	shalt  }
0x78: {  	_ =	shalt  }
0x79: {  	_ =	shalt  }
0x7a: {  	_ =	shalt  }
0x7b: {  	_ =	shalt  }
0x7c: {  	_ =	shalt  }
0x7d: {  	_ =	shalt  }
0x7e: {  	_ =	shalt  }
0x7f: {  	_ =	shalt  }
0x80: {  	_ =	shalt  }
0x81: {  	_ =	shalt  }
0x82: {  	_ =	shalt  }
0x83: {  	_ =	shalt  }
0x84: {  	_ =	shalt  }
0x85: {  	_ =	shalt  }
0x86: {  	_ =	shalt  }
0x87: {  	_ =	shalt  }
.Lfunc_end0:
.L_simem_size_0:
called_computation.1_lowered:
.L_overlay_start_0:
0x88: {  	s2 =	sld [smem:$0x3FD9]  }
0x89: {  	s3 =	sld [smem:$0x3FFE];
	_ =	sdelay $0x1  }
0x8a: {  	s1 =	srdreg.scid  }
0x8b: {  	s0 =	sand.u32 $0x1, s1  }
0x8c: {  	s17 =	sshll.u32 s0, $0xA;
	s2 =	sadd.s32 s3, s2  }
0x8d: {  	s2 =	sadd.s32 s2, s17  }
0x8e: {  	[smem:$0x3FBC] =	sst s2  }
0x8f: {  	_ = 	snop  }
0x90: {  	s2 =	sld [smem:$0x3FD0];
	(tm) =	ssettm $0x1  }
0x91: {  	s18 =	sld [smem:$0x3FFB];
	_ =	sdelay $0x3  }
0x92: {  	_ =	strace s18  }
0x93: {  	s3 =	sld [smem:$0x3FFC];
	_ =	sdelay $0x3  }
0x94: {  	_ =	strace s3  }
0x95: {  	s3 =	sld [smem:$0x3FFD];
	_ =	sdelay $0x3  }
0x96: {  	_ =	strace s3  }
0x97: {  	_ =	strace $0x8FFFFFFF  }
0x98: {  	s19 =	sld [smem:$0x3FDB];
	_ =	sdelay $0x1  }
0x99: {  	s4 =	simm.s32 $_scs_section_size  }
0x9a: {  	s5 =	simm.s32 $_size__tile_overlayer_lowered;
	s6 =	simm.s32 $_tile_overlayer_lowered  }
0x9b: {  	s22 =	simm.s32 $0x1BFF;
	s21 =	sshll.u32 s6, $0x1;
	s3 =	sadd.s32 s4, s19  }
0x9c: {  	s7 =	simm.s32 $0x0;
	s20 =	sshll.u32 s5, $0x1;
	s5 =	sadd.s32 s21, s3  }
0x9d: {  	[timem:s7], [sflag:s22] =	dma.local [hbm:s5], s20  }
0x9e: {  	_ =	swait.ge [sflag:s22], s20  }
0x9f: {  	s4 =	ssub.s32 $0x0, s20;
	[sflag:s22] =	ssyncset.done $0x0  }
0xa0: {  	[sflag:s22] =	ssyncadd.s32 s4;
	_ =	sdelay $0x1  }
0xa1: {  	s23 =	simm.s32 $0x1B8B  }
0xa2: {  	_ =	swait.ge [sflag:s23], $0x1  }
0xa3: {  	[sflag:s23] =	ssyncset.done $0x0  }
0xa4: {  	s25 =	simm.s32 $0x1B8E;
	s24 =	sld [smem:$0x3FFE];
	[sflag:s23] =	ssyncadd.s32 $0xFFFFFFFF  }
0xa5: {  	s26 =	simm.s32 $execute0_lowered;
	[smem:$0x3FD2] =	sst s25  }
0xa6: {  	s5 =	sshll.u32 s26, $0x1;
	_ =	strace $0x80000049;
	[dreg:$0x1] =	wrdreg $0xFFFFFFFF  }
0xa7: {  	s28 =	simm.s32 $_size_execute0_lowered;
	s3 =	sadd.s32 s3, s5;
	[dreg:$0x0] =	wrdreg $0x0  }
0xa8: {  	s5 =	sshll.u32 s28, $0x1;
	[dreg:$0x2] =	wrdreg s3  }
0xa9: {  	[dreg:$0x3] =	wrdreg s5  }
0xaa: {  	[dreg:$0x4] =	wrdreg $0xC0  }
0xab: {  	_ =	task [dreg:s7], $0x5FFFF  }
0xac: {  	[dreg:$0x1] =	wrdreg $0xFFFFFFFF  }
0xad: {  	[dreg:$0x0] =	wrdreg $0x60  }
0xae: {  	[dreg:$0x2] =	wrdreg s2  }
0xaf: {  	[dreg:$0x3] =	wrdreg s24  }
0xb0: {  	[dreg:$0x4] =	wrdreg $0x62200  }
0xb1: {  	[dreg:$0x5] =	wrdreg $0x9  }
0xb2: {  	_ =	task.clear_ibuf [dreg:s7], $0x6FFFF;
	_ =	strace $0x90000049  }
0xb3: {  	s29 =	simm.s32 $0x9;
	_ =	strace $0x8000004B  }
0xb4: {  	_ =	swait.ge [sflag:s29], $0x1  }
0xb5: {  	[sflag:s29] =	ssyncadd.s32 $0xFFFFFFFF  }
0xb6: {  	_ =	strace $0x9000004B  }
0xb7: {  	_ =	sfence  }
0xb8: {  	s30 =	sld [smem:$0x0];
	_ =	sdelay $0x2  }
0xb9: {  	s31 =	sshll.u32 s1, $0xD;
	s1 =	sshrl.u32 s1, $0x2  }
0xba: {  	s3 =	sand.u32 $0x4000, s31;
	s1 =	sadd.s32 s1, s30  }
0xbb: {  	s0 =	sor.u32 s3, s0;
	s1 =	sshll.u32 s1, $0x11  }
0xbc: {  	s0 =	sor.u32 s1, s0  }
0xbd: {  	s0 =	sadd.s32 $0x8F2B, s0  }
0xbe: {  	[sflag:s0] =	ssyncadd.remote.s32 $0x1  }
0xbf: {  	_ =	sfence.sel $0xFFFF  }
0xc0: {  	[dreg:$0x0] =	wrdreg $0xFFFFFFFF;
	(pc) =	sbr.abs _section_cstart, $3  }
0xc1: {  	[dreg:$0x1] =	wrdreg $0xFFFFFFFF  }
0xc2: {  	_ =	task.clear_ibuf [dreg:s7], $0x2FFFF;
	_ =	strace $0x9FFFFFFF  }
0xc3: {  	(tm) =	ssettm $0x7FFFFFFF  }
tec
execute0_lowered:
.L_overlay_start_1:
0x0: {  	(tag) =	ssettag $0x1  }
0x1: {  	s1 =	rddreg [dreg:$0x0]  }
0x2: {  	s6 =	rddreg [dreg:$0x1]  }
0x3: {  	s0 =	srdreg.scid;
	s3 =	rddreg [dreg:$0x2]  }
0x4: {  	s2 =	rddreg [dreg:$0x3];
	s7 =	sand.u32 $0x1, s0  }
0x5: {  	s4 =	simm.s32 $0x0;
	s0 =	stileid.u32;
	s5 =	smul.u32 $0x27100, s7  }
0x6: {  	s14 =	simm.s32 $0x1;
	s15 =	simm.s32 $0x5820;
	s8 =	smul.u32 $0x2710, s0  }
0x7: {  	s16 =	simm.s32 $0x28;
	s17 =	simm.s32 $0x4DF8;
	s9 =	smul.u32 $0x9E00, s0  }
0x8: {  	s18 =	simm.s32 $0x0;
	[smem:$0x7FF] =	sst s4;
	s29 =	smul.u32 $0x9E000, s7  }
0x9: {  	_ =	strace $0x8000004A;
	s7 =	ssub.s32 $0x2, s7;
	s31 =	sshll.u32 s0, $0x6  }
0xa: {  	s30 =	sshrl.u32 s7, $0x1;
	s5 =	sadd.s32 s8, s5;
	s8 =	sadd.s32 s9, s29  }
0xb: {  	s12 =	ssub.s32 s7, s30;
	s13 =	sadd.s32 s9, s3;
	s5 =	sshrl.u32 s5, $0x3  }
0xc: {  	s8 =	sshrl.u32 s8, $0x3;
	s10 =	sadd.s32 s5, s6;
	s5 =	sadd.s32 $0x15400, s6  }
0xd: {  	s11 =	sadd.s32 s8, s6;
	s6 =	sor.u32 $0x1C02, s31;
	s7 =	sadd.s32 $0xB600, s10  }
0xe: {  	s8 =	sadd.s32 $0x1800, s10;
	s9 =	sadd.s32 $0x16800, s11;
	s10 =	smax.u32 s12, $0x1  }
0xf: {  	s11 =	sshrl.u32 s13, $0x3;
	s12 =	simm.s32 $0x2;
	s13 =	simm.s32 $0x4E20  }
.LBB2_1:
0x10: {  	[spmem:s11], [sflag:s6] =	dma.local [hbm:s5], $0x13C0  }
0x11: {  	_ =	swait.ge [sflag:s12], $0x13C0  }
0x12: {  	[sflag:s12] =	ssyncset.done $0x0  }
0x13: {  	[sflag:s12] =	ssyncadd.s32 $0xFFFFEC40  }
0x14: {  	[tilespmem:s4], [sflag:$0x2] =	stream.linear.gather [hbm4b:s7+s4], $0x2710, $0x38;
	[tilespmem:$0x10020] =	vst v63  }
0x15: {  	_ =	swait.ge [sflag:s12], $0x2710  }
0x16: {  	[sflag:s12] =	ssyncset.done $0x0  }
0x17: {  	s19 =	simm.s32 $0x2710;
	[sflag:s12] =	ssyncadd.s32 $0xFFFFD8F0  }
0x18: {  	[tilespmem:s19], [sflag:$0x2] =	stream.linear.gather [hbm4b:s8+s4], $0x2710, $0x38;
	[tilespmem:$0x10020] =	vst v63  }
0x19: {  	_ =	swait.ge [sflag:s12], $0x2710  }
0x1a: {  	[sflag:s12] =	ssyncset.done $0x0  }
0x1b: {  	[sflag:s12] =	ssyncadd.s32 $0xFFFFD8F0  }
0x1c: {  	[bflag:$0x0] =	sbarrier.arrive $0xFFFF  }
0x1d: {  	[tilespmem:s13], [sflag:$0x1] =	stream.indirect.gather [hbm4b:s1+s16], $0x40, s4, s16, $0xb8;
	[tilespmem:$0x10020] =	vst v63  }
0x1e: {  	s20 =	sand.u32 $0x1, s14;
	_ =	swait.ge [sflag:s14], $0xA00  }
0x1f: {  	p0 =	seq.s32 s20, $0x1;
	s20 =	simm.s32 $0x5820;
	[sflag:s14] =	ssyncset.done $0x0  }
0x20: {  	s20 =	simm.s32 @!p0 $0x4E20;
	[sflag:s14] =	ssyncadd.s32 $0xFFFFF600  }
0x21: {  	[tilespmem:s20], [sflag:$0x1] =	stream.indirect.gather [hbm4b:s1+s16], $0x40, s16, s16, $0xb8;
	[tilespmem:$0x10020] =	vst v63  }
0x22: {  	s20 =	simm.s32 $0x4E20  }
0x23: {  	s20 =	simm.s32 @!p0 $0x5820  }
0x24: {  	[spmem:s3] =	stream.indirect.scatter.add.f32 [tilespmem:s20], [sflag:$0x2], $0x40, s19, s16, $0xb8;
	[tilespmem:$0x10020] =	vst v63  }
0x25: {  	_ =	swait.ge [sflag:s12], $0xA00  }
0x26: {  	s21 =	simm.s32 $0x28;
	s20 =	simm.s32 $0x2;
	[sflag:s12] =	ssyncset.done $0x0  }
.LBB2_2:
0x27: {  	[sflag:s12] =	ssyncadd.s32 $0xFFFFF600;
	s19 =	sadd.s32 $0x28, s19;
	s21 =	sadd.s32 $0x28, s21  }
0x28: {  	p0 =	sne.s32 s20, $0xF9;
	s22 =	smov.u32 s20;
	s20 =	sadd.s32 $0x1, s20  }
0x29: {  	s22 =	sand.u32 $0x1, s22;
	_ =	swait.ge [sflag:s14], $0xA00  }
0x2a: {  	p1 =	seq.s32 s22, $0x1;
	s22 =	simm.s32 $0x5820;
	[sflag:s14] =	ssyncset.done $0x0  }
0x2b: {  	s22 =	simm.s32 @!p1 $0x4E20;
	[sflag:s14] =	ssyncadd.s32 $0xFFFFF600  }
0x2c: {  	[tilespmem:s22], [sflag:$0x1] =	stream.indirect.gather [hbm4b:s1+s16], $0x40, s21, s16, $0xb8;
	[tilespmem:$0x10020] =	vst v63  }
.Ltmp0:
0x2d: {  	s22 =	simm.s32 $0x4E20;
	(pc) =	sbr.rel @p0 .LBB2_2-.Ltmp0, $4  }
0x2e: {  	s22 =	simm.s32 @!p1 $0x5820  }
0x2f: {  	[spmem:s3] =	stream.indirect.scatter.add.f32 [tilespmem:s22], [sflag:$0x2], $0x40, s19, s16, $0xb8;
	[tilespmem:$0x10020] =	vst v63  }
0x30: {  	_ =	swait.ge [sflag:s12], $0xA00  }
0x31: {  	[sflag:s12] =	ssyncset.done $0x0  }
0x32: {  	[sflag:s12] =	ssyncadd.s32 $0xFFFFF600  }
0x33: {  	_ =	swait.ge [sflag:s14], $0xA00  }
0x34: {  	[sflag:s14] =	ssyncset.done $0x0  }
0x35: {  	[sflag:s14] =	ssyncadd.s32 $0xFFFFF600  }
0x36: {  	[spmem:s3] =	stream.indirect.scatter.add.f32 [tilespmem:s15], [sflag:$0x2], $0x40, s17, s16, $0xb8;
	[tilespmem:$0x10020] =	vst v63  }
0x37: {  	_ =	swait.ge [sflag:s12], $0xA00  }
0x38: {  	s18 =	sadd.s32 $0x1, s18;
	[sflag:s12] =	ssyncset.done $0x0  }
0x39: {  	p0 =	sne.s32 s18, s10;
	[sflag:s12] =	ssyncadd.s32 $0xFFFFF600  }
.Ltmp1:
0x3a: {  	[bflag:$0x0] =	sbarrier.arrive $0xFFFF;
	(pc) =	sbr.rel @p0 .LBB2_1-.Ltmp1, $4  }
0x3b: {  	[hbm:s9], [sflag:s6] =	dma.local [spmem:s11], $0x13C0  }
0x3c: {  	_ =	swait.ge [sflag:s12], $0x13C0  }
0x3d: {  	[sflag:s12] =	ssyncset.done $0x0  }
0x3e: {  	[sflag:s12] =	ssyncadd.s32 $0xFFFFEC40  }
0x3f: {  	_ =	sfence.sel $0x180000  }
0x40: {  	[bflag:$0x0] =	sbarrier.arrive $0xFFFF  }
0x41: {  	p0 =	sne.s32 s0, $0x0;
	_ =	strace $0x9000004A  }
0x42: {  	s0 =	sadd.s32 @!p0 $0x100000, s2;
	[bflag:$0x2] =	sbarrier.arrive $0xFFFF  }
0x43: {  	[sflag:s0] =	ssyncadd.tile.s32 @!p0 $0x1;
	_ =	shalt  }
.Lfunc_end2:
_tile_overlayer_lowered:
.L_overlay_start_2:
0x44: {  	(tag) =	ssettag $0x2  }
0x45: {  	s0 =	rddreg [dreg:$0x0];
	s2 =	stileid.u32  }
0x46: {  	s1 =	rddreg [dreg:$0x1];
	p0 =	sne.s32 s2, $0x0  }
0x47: {  	s3 =	rddreg [dreg:$0x2];
	[bflag:$0x3] =	sbarrier.arrive $0xFFFF;
	s2 =	simm.s32 @!p0 $0x1C02  }
0x48: {  	[timem:s3], [sflag:s2] =	dma.local @!p0 [hbm:s0], s1  }
0x49: {  	s0 =	simm.s32 @!p0 $0x2  }
0x4a: {  	_ =	swait.ge @!p0 [sflag:s0], s1  }
0x4b: {  	s1 =	ssub.s32 @!p0 $0x0, s1;
	[sflag:s0] =	ssyncset.done @!p0 $0x0  }
0x4c: {  	[sflag:s0] =	ssyncadd.s32 @!p0 s1  }
0x4d: {  	[bflag:$0x3] =	sbarrier.arrive $0xFFFF  }
0x4e: {  	_ =	shalt  }

// kernel: kernel.7.cloned.1.call-start
scs
__scs_entry_jumppad:
0x0: {  	(pc) =	sbr.rel $0x88, $3  }
0x1: {  	(tag) =	ssettag $0x0;
	lr =	simm.s32 $0x1  }
0x2: {  	[smem:$0x3F95] =	sst lr;
	_ =	strace $0xD0000000  }
0x3: {  	_ = 	snop  }
0x4: {  	_ = 	snop  }
0x5: {  	_ = 	snop  }
0x6: {  	_ = 	snop  }
0x7: {  	_ = 	snop  }
__scs_overlays_trampoline_lowered:
0x8: {  	[smem:$0x3FA4] =	sst s0  }
0x9: {  	[smem:$0x3FA5] =	sst s1  }
0xa: {  	[smem:$0x3FA6] =	sst s2  }
0xb: {  	[smem:$0x3FA7] =	sst s3  }
0xc: {  	[smem:$0x3FA8] =	sst s4  }
0xd: {  	[smem:$0x3FA9] =	sst s5  }
0xe: {  	[smem:$0x3FAA] =	sst s6  }
0xf: {  	[smem:$0x3FAB] =	sst s7  }
0x10: {  	[smem:$0x3FAC] =	sst s8  }
0x11: {  	[smem:$0x3FAD] =	sst s9;
	s0 =	simm.s32 @!p0 $0x0  }
0x12: {  	s1 =	sld [smem:$0x3F93];
	s0 =	simm.s32 @p0 $0x1  }
0x13: {  	[smem:$0x3FAE] =	sst s0;
	s0 =	simm.s32 @!p1 $0x0  }
0x14: {  	s2 =	sld [smem:$0x3F92];
	s0 =	simm.s32 @p1 $0x1  }
0x15: {  	[smem:$0x3FAF] =	sst s0;
	s0 =	simm.s32 @!p2 $0x0  }
0x16: {  	s3 =	sld [smem:$0x3FDB];
	s0 =	simm.s32 @p2 $0x1  }
0x17: {  	s4 =	simm.s32 $0x1BF5;
	[smem:$0x3FB1] =	sst s0  }
0x18: {  	s0 =	sld [smem:$0x3F94];
	_ =	swait.ge [sflag:s4], $0x0  }
0x19: {  	s7 =	sld [smem:$0x3F95]  }
0x1a: {  	s8 =	sadd.s32 $0xFFFFE003, lr  }
0x1b: {  	s9 =	sadd.s32 $0xFFFFFEF7, lr;
	s5 =	simm.s32 $0xFFFFFFFF;
	p2 =	slt.u32 s8, $0xFFFFF086  }
0x1c: {  	p1 =	slt.u32 s9, $0xF7A;
	s5 =	simm.s32 @!p2 $0x0  }
0x1d: {  	s5 =	simm.s32 @p1 $0x1;
	p0 =	seq.s32 s7, s2  }
0x1e: {  	s7 =	smul.u32 @!p0 $0xF7A, s2;
	p2 =	seq.s32 @!p0 s5, $0x0  }
0x1f: {  	s9 =	smul.u32 $0xF7A, s1;
	s8 =	simm.s32 @!p0 $0x1BF5;
	p2 =	por !p2, p0  }
0x20: {  	[sflag:s8] =	ssyncset.s32 @!p0 $0xFFFFF086;
	s6 =	sadd.s32 @!p0 s3, s7;
	s7 =	simm.s32 @!p0 $0x108  }
0x21: {  	s3 =	sadd.s32 s3, s9;
	s6 =	sadd.s32 @!p0 $0x88, s6;
	s7 =	simm.s32 @p2 $0x1082  }
0x22: {  	[simem:s7], [sflag:s8] =	dma.local @!p0 [hbm:s6], $0xF7A  }
0x23: {  	s9 =	sor.u32 $0xD0000000, s2;
	s6 =	simm.s32 $0x108;
	_ =	swait.ge @!p0 [sflag:s8], $0x0  }
0x24: {  	s3 =	sadd.s32 $0x88, s3;
	s6 =	simm.s32 @!p1 $0x1082;
	[sflag:s4] =	ssyncset.s32 $0xFFFFF086  }
0x25: {  	[simem:s6], [sflag:s4] =	dma.local [hbm:s3], $0xF7A  }
0x26: {  	[smem:$0x3F95] =	sst s1;
	(tag) =	ssettag s2;
	_ =	strace s9  }
0x27: {  	s1 =	sld [smem:$0x3FA5]  }
0x28: {  	s2 =	sld [smem:$0x3FA6]  }
0x29: {  	s4 =	sld [smem:$0x3FA8]  }
0x2a: {  	p0 =	seq.s32 s5, $0x0;
	s5 =	sld [smem:$0x3FA9]  }
0x2b: {  	s6 =	sld [smem:$0x3FAA]  }
0x2c: {  	s7 =	sld [smem:$0x3FAB]  }
0x2d: {  	s3 =	simm.s32 $0x108;
	s8 =	sld [smem:$0x3FAC]  }
0x2e: {  	s3 =	simm.s32 @!p0 $0x1082;
	s9 =	sld [smem:$0x3FAD]  }
0x2f: {  	lr =	sadd.s32 s0, s3;
	s0 =	sld [smem:$0x3FA4]  }
0x30: {  	s3 =	sld [smem:$0x3FA7]  }
0x31: {  	[smem:$0x3FB0] =	sst s10  }
0x32: {  	s10 =	sld [smem:$0x3FAE];
	_ =	sdelay $0x3  }
0x33: {  	p0 =	seq.s32 s10, $0x1;
	s10 =	sld [smem:$0x3FB0];
	_ =	sdelay $0x3  }
0x34: {  	[smem:$0x3FB0] =	sst s10  }
0x35: {  	s10 =	sld [smem:$0x3FAF];
	_ =	sdelay $0x3  }
0x36: {  	p1 =	seq.s32 s10, $0x1;
	s10 =	sld [smem:$0x3FB0];
	_ =	sdelay $0x3  }
0x37: {  	[smem:$0x3FB0] =	sst s10  }
0x38: {  	s10 =	sld [smem:$0x3FB1]  }
0x39: {  	_ = 	snop;
	(pc) =	sbr.ind lr, $3  }
0x3a: {  	_ = 	snop  }
0x3b: {  	_ = 	snop  }
0x3c: {  	p2 =	seq.s32 s10, $0x1;
	s10 =	sld [smem:$0x3FB0]  }
0x3d: {  	_ =	shalt  }
0x3e: {  	_ =	shalt  }
0x3f: {  	_ =	shalt  }
0x40: {  	_ =	shalt  }
0x41: {  	_ =	shalt  }
0x42: {  	_ =	shalt  }
0x43: {  	_ =	shalt  }
0x44: {  	_ =	shalt  }
0x45: {  	_ =	shalt  }
0x46: {  	_ =	shalt  }
0x47: {  	_ =	shalt  }
0x48: {  	_ =	shalt  }
0x49: {  	_ =	shalt  }
0x4a: {  	_ =	shalt  }
0x4b: {  	_ =	shalt  }
0x4c: {  	_ =	shalt  }
0x4d: {  	_ =	shalt  }
0x4e: {  	_ =	shalt  }
0x4f: {  	_ =	shalt  }
0x50: {  	_ =	shalt  }
0x51: {  	_ =	shalt  }
0x52: {  	_ =	shalt  }
0x53: {  	_ =	shalt  }
0x54: {  	_ =	shalt  }
0x55: {  	_ =	shalt  }
0x56: {  	_ =	shalt  }
0x57: {  	_ =	shalt  }
0x58: {  	_ =	shalt  }
0x59: {  	_ =	shalt  }
0x5a: {  	_ =	shalt  }
0x5b: {  	_ =	shalt  }
0x5c: {  	_ =	shalt  }
0x5d: {  	_ =	shalt  }
0x5e: {  	_ =	shalt  }
0x5f: {  	_ =	shalt  }
0x60: {  	_ =	shalt  }
0x61: {  	_ =	shalt  }
0x62: {  	_ =	shalt  }
0x63: {  	_ =	shalt  }
0x64: {  	_ =	shalt  }
0x65: {  	_ =	shalt  }
0x66: {  	_ =	shalt  }
0x67: {  	_ =	shalt  }
0x68: {  	_ =	shalt  }
0x69: {  	_ =	shalt  }
0x6a: {  	_ =	shalt  }
0x6b: {  	_ =	shalt  }
0x6c: {  	_ =	shalt  }
0x6d: {  	_ =	shalt  }
0x6e: {  	_ =	shalt  }
0x6f: {  	_ =	shalt  }
0x70: {  	_ =	shalt  }
0x71: {  	_ =	shalt  }
0x72: {  	_ =	shalt  }
0x73: {  	_ =	shalt  }
0x74: {  	_ =	shalt  }
0x75: {  	_ =	shalt  }
0x76: {  	_ =	shalt  }
0x77: {  	_ =	shalt  }
0x78: {  	_ =	shalt  }
0x79: {  	_ =	shalt  }
0x7a: {  	_ =	shalt  }
0x7b: {  	_ =	shalt  }
0x7c: {  	_ =	shalt  }
0x7d: {  	_ =	shalt  }
0x7e: {  	_ =	shalt  }
0x7f: {  	_ =	shalt  }
0x80: {  	_ =	shalt  }
0x81: {  	_ =	shalt  }
0x82: {  	_ =	shalt  }
0x83: {  	_ =	shalt  }
0x84: {  	_ =	shalt  }
0x85: {  	_ =	shalt  }
0x86: {  	_ =	shalt  }
0x87: {  	_ =	shalt  }
.Lfunc_end0:
.L_simem_size_0:
called_computation_lowered:
.L_overlay_start_0:
0x88: {  	s2 =	sld [smem:$0x3FD9]  }
0x89: {  	s3 =	sld [smem:$0x3FFE];
	_ =	sdelay $0x1  }
0x8a: {  	s1 =	srdreg.scid  }
0x8b: {  	s0 =	sand.u32 $0x1, s1  }
0x8c: {  	s17 =	sshll.u32 s0, $0xA;
	s2 =	sadd.s32 s3, s2  }
0x8d: {  	s2 =	sadd.s32 s2, s17  }
0x8e: {  	[smem:$0x3FBC] =	sst s2  }
0x8f: {  	_ = 	snop  }
0x90: {  	s2 =	sld [smem:$0x3FD0];
	(tm) =	ssettm $0x1  }
0x91: {  	s18 =	sld [smem:$0x3FFB];
	_ =	sdelay $0x3  }
0x92: {  	_ =	strace s18  }
0x93: {  	s3 =	sld [smem:$0x3FFC];
	_ =	sdelay $0x3  }
0x94: {  	_ =	strace s3  }
0x95: {  	s3 =	sld [smem:$0x3FFD];
	_ =	sdelay $0x3  }
0x96: {  	_ =	strace s3  }
0x97: {  	_ =	strace $0x8FFFFFFF  }
0x98: {  	s19 =	sld [smem:$0x3FDB];
	_ =	sdelay $0x1  }
0x99: {  	s4 =	simm.s32 $_scs_section_size  }
0x9a: {  	s5 =	simm.s32 $_size__tile_overlayer_lowered;
	s6 =	simm.s32 $_tile_overlayer_lowered  }
0x9b: {  	s22 =	simm.s32 $0x1BFF;
	s21 =	sshll.u32 s6, $0x1;
	s3 =	sadd.s32 s4, s19  }
0x9c: {  	s7 =	simm.s32 $0x0;
	s20 =	sshll.u32 s5, $0x1;
	s5 =	sadd.s32 s21, s3  }
0x9d: {  	[timem:s7], [sflag:s22] =	dma.local [hbm:s5], s20  }
0x9e: {  	_ =	swait.ge [sflag:s22], s20  }
0x9f: {  	s4 =	ssub.s32 $0x0, s20;
	[sflag:s22] =	ssyncset.done $0x0  }
0xa0: {  	[sflag:s22] =	ssyncadd.s32 s4;
	_ =	sdelay $0x1  }
0xa1: {  	s23 =	simm.s32 $0x1B8B  }
0xa2: {  	_ =	swait.ge [sflag:s23], $0x1  }
0xa3: {  	[sflag:s23] =	ssyncset.done $0x0  }
0xa4: {  	s25 =	simm.s32 $0x1B8E;
	s24 =	sld [smem:$0x3FFE];
	[sflag:s23] =	ssyncadd.s32 $0xFFFFFFFF  }
0xa5: {  	s26 =	simm.s32 $execute0_lowered;
	[smem:$0x3FD2] =	sst s25  }
0xa6: {  	s5 =	sshll.u32 s26, $0x1;
	_ =	strace $0x80000046;
	[dreg:$0x1] =	wrdreg $0xFFFFFFFF  }
0xa7: {  	s28 =	simm.s32 $_size_execute0_lowered;
	s3 =	sadd.s32 s3, s5;
	[dreg:$0x0] =	wrdreg $0x0  }
0xa8: {  	s5 =	sshll.u32 s28, $0x1;
	[dreg:$0x2] =	wrdreg s3  }
0xa9: {  	[dreg:$0x3] =	wrdreg s5  }
0xaa: {  	[dreg:$0x4] =	wrdreg $0xC0  }
0xab: {  	_ =	task [dreg:s7], $0x5FFFF  }
0xac: {  	[dreg:$0x1] =	wrdreg $0xFFFFFFFF  }
0xad: {  	[dreg:$0x0] =	wrdreg $0x60  }
0xae: {  	[dreg:$0x2] =	wrdreg s24  }
0xaf: {  	[dreg:$0x3] =	wrdreg s2  }
0xb0: {  	[dreg:$0x4] =	wrdreg $0x76200  }
0xb1: {  	[dreg:$0x5] =	wrdreg $0x9  }
0xb2: {  	_ =	task.clear_ibuf [dreg:s7], $0x6FFFF;
	_ =	strace $0x90000046  }
0xb3: {  	s29 =	simm.s32 $0x9;
	_ =	strace $0x80000048  }
0xb4: {  	_ =	swait.ge [sflag:s29], $0x1  }
0xb5: {  	[sflag:s29] =	ssyncadd.s32 $0xFFFFFFFF  }
0xb6: {  	_ =	strace $0x90000048  }
0xb7: {  	_ =	sfence  }
0xb8: {  	s30 =	sld [smem:$0x0];
	_ =	sdelay $0x2  }
0xb9: {  	s31 =	sshll.u32 s1, $0xD;
	s1 =	sshrl.u32 s1, $0x2  }
0xba: {  	s3 =	sand.u32 $0x4000, s31;
	s1 =	sadd.s32 s1, s30  }
0xbb: {  	s0 =	sor.u32 s3, s0;
	s1 =	sshll.u32 s1, $0x11  }
0xbc: {  	s0 =	sor.u32 s1, s0  }
0xbd: {  	s0 =	sadd.s32 $0x8F2B, s0  }
0xbe: {  	[sflag:s0] =	ssyncadd.remote.s32 $0x1  }
0xbf: {  	_ =	sfence.sel $0xFFFF  }
0xc0: {  	[dreg:$0x0] =	wrdreg $0xFFFFFFFF;
	(pc) =	sbr.abs _section_cstart, $3  }
0xc1: {  	[dreg:$0x1] =	wrdreg $0xFFFFFFFF  }
0xc2: {  	_ =	task.clear_ibuf [dreg:s7], $0x2FFFF;
	_ =	strace $0x9FFFFFFF  }
0xc3: {  	(tm) =	ssettm $0x7FFFFFFF  }
tec
execute0_lowered:
.L_overlay_start_1:
0x0: {  	(tag) =	ssettag $0x1  }
0x1: {  	s6 =	rddreg [dreg:$0x0]  }
0x2: {  	s2 =	rddreg [dreg:$0x1]  }
0x3: {  	s0 =	srdreg.scid;
	s3 =	rddreg [dreg:$0x2]  }
0x4: {  	s1 =	rddreg [dreg:$0x3];
	s7 =	sand.u32 $0x1, s0  }
0x5: {  	s4 =	simm.s32 $0x0;
	s0 =	stileid.u32;
	s5 =	smul.u32 $0x27100, s7  }
0x6: {  	s14 =	simm.s32 $0x1;
	s15 =	simm.s32 $0x6220;
	s8 =	smul.u32 $0x2710, s0  }
0x7: {  	s16 =	simm.s32 $0x28;
	s17 =	simm.s32 $0x4DF8;
	s9 =	smul.u32 $0x13C00, s0  }
0x8: {  	s18 =	simm.s32 $0x0;
	[smem:$0x7FF] =	sst s4;
	s10 =	smul.u32 $0x13C000, s7  }
0x9: {  	_ =	strace $0x80000047;
	s7 =	ssub.s32 $0x2, s7;
	s11 =	sshll.u32 s0, $0x6  }
0xa: {  	s31 =	sshrl.u32 s7, $0x1;
	s8 =	sadd.s32 s8, s5;
	s5 =	sadd.s32 $0x15400, s6  }
0xb: {  	s10 =	sadd.s32 s9, s10;
	s12 =	ssub.s32 s7, s31;
	s8 =	sshrl.u32 s8, $0x3  }
0xc: {  	s13 =	sadd.s32 s9, s3;
	s10 =	sshrl.u32 s10, $0x3;
	s8 =	sadd.s32 s8, s6  }
0xd: {  	s10 =	sadd.s32 s10, s6;
	s6 =	sor.u32 $0x1C02, s11;
	s11 =	sshrl.u32 s13, $0x3  }
0xe: {  	s13 =	simm.s32 $0x4E20;
	s7 =	sadd.s32 $0xB600, s8;
	s8 =	sadd.s32 $0x1800, s8  }
0xf: {  	s9 =	sadd.s32 $0x3C600, s10;
	s10 =	smax.u32 s12, $0x1;
	s12 =	simm.s32 $0x2  }
.LBB2_1:
0x10: {  	[spmem:s11], [sflag:s6] =	dma.local [hbm:s2], $0x2780  }
0x11: {  	_ =	swait.ge [sflag:s12], $0x2780  }
0x12: {  	[sflag:s12] =	ssyncset.done $0x0  }
0x13: {  	[sflag:s12] =	ssyncadd.s32 $0xFFFFD880  }
0x14: {  	[tilespmem:s4], [sflag:$0x2] =	stream.linear.gather [hbm4b:s7+s4], $0x2710, $0x38;
	[tilespmem:$0x1B220] =	vst v63  }
0x15: {  	_ =	swait.ge [sflag:s12], $0x2710  }
0x16: {  	[sflag:s12] =	ssyncset.done $0x0  }
0x17: {  	s19 =	simm.s32 $0x2710;
	[sflag:s12] =	ssyncadd.s32 $0xFFFFD8F0  }
0x18: {  	[tilespmem:s19], [sflag:$0x2] =	stream.linear.gather [hbm4b:s8+s4], $0x2710, $0x38;
	[tilespmem:$0x1B220] =	vst v63  }
0x19: {  	_ =	swait.ge [sflag:s12], $0x2710  }
0x1a: {  	[sflag:s12] =	ssyncset.done $0x0  }
0x1b: {  	[sflag:s12] =	ssyncadd.s32 $0xFFFFD8F0  }
0x1c: {  	[bflag:$0x0] =	sbarrier.arrive $0xFFFF  }
0x1d: {  	[tilespmem:s13], [sflag:$0x1] =	stream.indirect.gather [hbm4b:s5+s16], $0x80, s4, s16, $0xb8;
	[tilespmem:$0x1B220] =	vst v63  }
0x1e: {  	s20 =	sand.u32 $0x1, s14;
	_ =	swait.ge [sflag:s14], $0x1400  }
0x1f: {  	p0 =	seq.s32 s20, $0x1;
	s20 =	simm.s32 $0x6220;
	[sflag:s14] =	ssyncset.done $0x0  }
0x20: {  	s20 =	simm.s32 @!p0 $0x4E20;
	[sflag:s14] =	ssyncadd.s32 $0xFFFFEC00  }
0x21: {  	[tilespmem:s20], [sflag:$0x1] =	stream.indirect.gather [hbm4b:s5+s16], $0x80, s16, s16, $0xb8;
	[tilespmem:$0x1B220] =	vst v63  }
0x22: {  	s20 =	simm.s32 $0x4E20  }
0x23: {  	s20 =	simm.s32 @!p0 $0x6220  }
0x24: {  	[spmem:s3] =	stream.indirect.scatter.add.f32 [tilespmem:s20], [sflag:$0x2], $0x80, s19, s16, $0xb8;
	[tilespmem:$0x1B220] =	vst v63  }
0x25: {  	_ =	swait.ge [sflag:s12], $0x1400  }
0x26: {  	s21 =	simm.s32 $0x28;
	s20 =	simm.s32 $0x2;
	[sflag:s12] =	ssyncset.done $0x0  }
.LBB2_2:
0x27: {  	[sflag:s12] =	ssyncadd.s32 $0xFFFFEC00;
	s19 =	sadd.s32 $0x28, s19;
	s21 =	sadd.s32 $0x28, s21  }
0x28: {  	p0 =	sne.s32 s20, $0xF9;
	s22 =	smov.u32 s20;
	s20 =	sadd.s32 $0x1, s20  }
0x29: {  	s22 =	sand.u32 $0x1, s22;
	_ =	swait.ge [sflag:s14], $0x1400  }
0x2a: {  	p1 =	seq.s32 s22, $0x1;
	s22 =	simm.s32 $0x6220;
	[sflag:s14] =	ssyncset.done $0x0  }
0x2b: {  	s22 =	simm.s32 @!p1 $0x4E20;
	[sflag:s14] =	ssyncadd.s32 $0xFFFFEC00  }
0x2c: {  	[tilespmem:s22], [sflag:$0x1] =	stream.indirect.gather [hbm4b:s5+s16], $0x80, s21, s16, $0xb8;
	[tilespmem:$0x1B220] =	vst v63  }
.Ltmp0:
0x2d: {  	s22 =	simm.s32 $0x4E20;
	(pc) =	sbr.rel @p0 .LBB2_2-.Ltmp0, $4  }
0x2e: {  	s22 =	simm.s32 @!p1 $0x6220  }
0x2f: {  	[spmem:s3] =	stream.indirect.scatter.add.f32 [tilespmem:s22], [sflag:$0x2], $0x80, s19, s16, $0xb8;
	[tilespmem:$0x1B220] =	vst v63  }
0x30: {  	_ =	swait.ge [sflag:s12], $0x1400  }
0x31: {  	[sflag:s12] =	ssyncset.done $0x0  }
0x32: {  	[sflag:s12] =	ssyncadd.s32 $0xFFFFEC00  }
0x33: {  	_ =	swait.ge [sflag:s14], $0x1400  }
0x34: {  	[sflag:s14] =	ssyncset.done $0x0  }
0x35: {  	[sflag:s14] =	ssyncadd.s32 $0xFFFFEC00  }
0x36: {  	[spmem:s3] =	stream.indirect.scatter.add.f32 [tilespmem:s15], [sflag:$0x2], $0x80, s17, s16, $0xb8;
	[tilespmem:$0x1B220] =	vst v63  }
0x37: {  	_ =	swait.ge [sflag:s12], $0x1400  }
0x38: {  	s18 =	sadd.s32 $0x1, s18;
	[sflag:s12] =	ssyncset.done $0x0  }
0x39: {  	p0 =	sne.s32 s18, s10;
	[sflag:s12] =	ssyncadd.s32 $0xFFFFEC00  }
.Ltmp1:
0x3a: {  	[bflag:$0x0] =	sbarrier.arrive $0xFFFF;
	(pc) =	sbr.rel @p0 .LBB2_1-.Ltmp1, $4  }
0x3b: {  	[hbm:s9], [sflag:s6] =	dma.local [spmem:s11], $0x2780  }
0x3c: {  	_ =	swait.ge [sflag:s12], $0x2780  }
0x3d: {  	[sflag:s12] =	ssyncset.done $0x0  }
0x3e: {  	[sflag:s12] =	ssyncadd.s32 $0xFFFFD880  }
0x3f: {  	_ =	sfence.sel $0x180000  }
0x40: {  	[bflag:$0x0] =	sbarrier.arrive $0xFFFF  }
0x41: {  	p0 =	sne.s32 s0, $0x0;
	_ =	strace $0x90000047  }
0x42: {  	s0 =	sadd.s32 @!p0 $0x100000, s1;
	[bflag:$0x2] =	sbarrier.arrive $0xFFFF  }
0x43: {  	[sflag:s0] =	ssyncadd.tile.s32 @!p0 $0x1;
	_ =	shalt  }
.Lfunc_end2:
_tile_overlayer_lowered:
.L_overlay_start_2:
0x44: {  	(tag) =	ssettag $0x2  }
0x45: {  	s0 =	rddreg [dreg:$0x0];
	s2 =	stileid.u32  }
0x46: {  	s1 =	rddreg [dreg:$0x1];
	p0 =	sne.s32 s2, $0x0  }
0x47: {  	s3 =	rddreg [dreg:$0x2];
	[bflag:$0x3] =	sbarrier.arrive $0xFFFF;
	s2 =	simm.s32 @!p0 $0x1C02  }
0x48: {  	[timem:s3], [sflag:s2] =	dma.local @!p0 [hbm:s0], s1  }
0x49: {  	s0 =	simm.s32 @!p0 $0x2  }
0x4a: {  	_ =	swait.ge @!p0 [sflag:s0], s1  }
0x4b: {  	s1 =	ssub.s32 @!p0 $0x0, s1;
	[sflag:s0] =	ssyncset.done @!p0 $0x0  }
0x4c: {  	[sflag:s0] =	ssyncadd.s32 @!p0 s1  }
0x4d: {  	[bflag:$0x3] =	sbarrier.arrive $0xFFFF  }
0x4e: {  	_ =	shalt  }

</sc_bundles>
